<compile_context>
chip_gen: v7x
topology: tpu7x:2x2x1
jax: 0.10.2.dev20260603
libtpu: 0.0.44.dev20260713+nightly
codegen_flags: <defaults>
</compile_context>

<pallas_src>
import functools

import jax
import jax.numpy as jnp
from jax import lax
from jax.experimental import pallas as pl
from jax.experimental.pallas import tpu as pltpu
from jax.experimental.pallas import tpu_sc as plsc

N = 10000
E = 160000
D = 256
H = 128
OUT = 10
JITTER = 1e-3

R = 1000
NB = N // R
NTILES = 16
EP = E // NTILES
K = 80
NCHUNK = EP // K
NPAD = 10240
RP = NPAD // NTILES
NZ = RP // K
HA = H + 16


def _colsum_body(x_ref, out_ref):
    @pl.when(pl.program_id(0) == 0)
    def _():
        out_ref[...] = jnp.zeros_like(out_ref)

    out_ref[...] += jnp.sum(x_ref[...], axis=0, keepdims=True)


def _colsum(x):
    return pl.pallas_call(
        _colsum_body,
        grid=(NB,),
        in_specs=[pl.BlockSpec((R, D), lambda i: (i, 0))],
        out_specs=pl.BlockSpec((1, D), lambda i: (0, 0)),
        out_shape=jax.ShapeDtypeStruct((1, D), jnp.float32),
    )(x)


def _center_body(x_ref, cs_ref, a_ref, b_ref):
    xc = x_ref[...] - cs_ref[...] * (1.0 / N)
    ones = jnp.ones((R, 16), jnp.float32)
    a_ref[...] = jnp.concatenate([xc[:, :H], ones], axis=1)
    b_ref[...] = jnp.concatenate([xc[:, H:], ones], axis=1)


def _center_split(x, colsum):
    return pl.pallas_call(
        _center_body,
        grid=(NB,),
        in_specs=[
            pl.BlockSpec((R, D), lambda i: (i, 0)),
            pl.BlockSpec((1, D), lambda i: (0, 0)),
        ],
        out_specs=[
            pl.BlockSpec((R, HA), lambda i: (i, 0)),
            pl.BlockSpec((R, HA), lambda i: (i, 0)),
        ],
        out_shape=[
            jax.ShapeDtypeStruct((N, HA), jnp.float32),
            jax.ShapeDtypeStruct((N, HA), jnp.float32),
        ],
    )(x, colsum)


def _sc_body(xca, xcb, src, dst, z128,
             agga, aggb,
             acc_sh, src_v, dst_v, rows_v, sem):
    cid = lax.axis_index("c")
    sid = lax.axis_index("s")
    row0 = sid * RP

    pltpu.sync_copy(z128, rows_v)
    for j in range(NZ):
        pltpu.sync_copy(rows_v, acc_sh.at[pl.ds(row0 + j * K, K)])
    plsc.subcore_barrier()

    def run(xc_hbm):
        @pl.loop(0, NCHUNK, unroll=1)
        def _chunk(i):
            eb = sid * EP + i * K
            pltpu.sync_copy(src.at[pl.ds(eb, K)], src_v)
            pltpu.sync_copy(dst.at[pl.ds(eb, K)], dst_v)
            pltpu.async_copy(xc_hbm.at[src_v], rows_v, sem).wait()
            pltpu.sync_copy(rows_v, acc_sh.at[dst_v], add=True)

    @pl.when(cid == 0)
    def _():
        run(xca)

    @pl.when(cid == 1)
    def _():
        run(xcb)

    plsc.subcore_barrier()

    def wb(out_hbm):
        @pl.loop(0, NZ, unroll=1)
        def _step(j):
            r0 = row0 + j * K
            pltpu.sync_copy(acc_sh.at[pl.ds(r0, K)], rows_v)
            pltpu.sync_copy(rows_v, out_hbm.at[pl.ds(r0, K)])

    @pl.when(cid == 0)
    def _():
        wb(agga)

    @pl.when(cid == 1)
    def _():
        wb(aggb)


def _sc_aggregate(xca, xcb, src, dst):
    z128 = jnp.zeros((K, HA), jnp.float32)
    mesh = plsc.VectorSubcoreMesh(core_axis_name="c", subcore_axis_name="s")
    f = pl.kernel(
        _sc_body,
        out_type=[
            jax.ShapeDtypeStruct((NPAD, HA), jnp.float32),
            jax.ShapeDtypeStruct((NPAD, HA), jnp.float32),
        ],
        mesh=mesh,
        scratch_types=[
            pltpu.VMEM_SHARED((NPAD, HA), jnp.float32),
            pltpu.VMEM((K,), jnp.int32),
            pltpu.VMEM((K,), jnp.int32),
            pltpu.VMEM((K, HA), jnp.float32),
            pltpu.SemaphoreType.DMA,
        ],
        compiler_params=pltpu.CompilerParams(use_tc_tiling_on_sc=False),
    )
    return f(xca, xcb, src, dst, z128)


def _softplus(v):
    return jnp.maximum(v, 0.0) + jnp.log(1.0 + jnp.exp(-jnp.abs(v)))


def _dense_body(xca, xcb, agga, aggb,
                aWlT, aWrT, a_bc, aW1T, a_b1, aW2T, a_b2, aW3T, a_b3,
                cWlT, cWrT, c_bc, cW1T, c_b1, cW2T, c_b2, cW3T, c_b3,
                conc_ref, hsum_ref, value_ref):
    i = pl.program_id(0)
    inv = 1.0 / jnp.maximum(agga[:, H:H + 1], 1.0)
    agg = jnp.concatenate([agga[:, :H], aggb[:, :H]], axis=1) * inv
    xc = jnp.concatenate([xca[:, :H], xcb[:, :H]], axis=1)

    dot = functools.partial(jnp.dot, preferred_element_type=jnp.float32)

    pre = dot(agg, aWlT[...]) + dot(xc, aWrT[...]) + a_bc[...]
    h = jnp.maximum(pre, 0.0) + xc
    h1 = jnp.maximum(dot(h, aW1T[...]) + a_b1[...], 0.0)
    h2 = jnp.maximum(dot(h1, aW2T[...]) + a_b2[...], 0.0)
    ao = dot(h2, aW3T[...]) + a_b3[...]
    conc_ref[...] = _softplus(ao) + JITTER

    prec = dot(agg, cWlT[...]) + dot(xc, cWrT[...]) + c_bc[...]
    hcb = jnp.maximum(prec, 0.0) + xc
    part = jnp.sum(hcb, axis=0, keepdims=True)

    @pl.when(i == 0)
    def _():
        hsum_ref[...] = part

    @pl.when(i > 0)
    def _():
        hsum_ref[...] += part

    @pl.when(i == NB - 1)
    def _():
        hc = hsum_ref[...]
        v1 = jnp.maximum(dot(hc, cW1T[...]) + c_b1[...], 0.0)
        v2 = jnp.maximum(dot(v1, cW2T[...]) + c_b2[...], 0.0)
        value_ref[...] = dot(v2, cW3T[...]) + c_b3[...]


def _dense(xca, xcb, agga, aggb, aw, cw):
    def full(shape):
        return pl.BlockSpec(shape, lambda i: tuple(0 for _ in shape))

    def row(w):
        return pl.BlockSpec((R, w), lambda i: (i, 0))

    wspecs = [full(w.shape) for w in aw] + [full(w.shape) for w in cw]
    return pl.pallas_call(
        _dense_body,
        grid=(NB,),
        in_specs=[row(HA), row(HA), row(HA), row(HA)] + wspecs,
        out_specs=[
            pl.BlockSpec((R, OUT), lambda i: (i, 0)),
            pl.BlockSpec((1, D), lambda i: (0, 0)),
            pl.BlockSpec((1, OUT), lambda i: (0, 0)),
        ],
        out_shape=[
            jax.ShapeDtypeStruct((N, OUT), jnp.float32),
            jax.ShapeDtypeStruct((1, D), jnp.float32),
            jax.ShapeDtypeStruct((1, OUT), jnp.float32),
        ],
    )(xca, xcb, agga, aggb, *aw, *cw)


def kernel(x, edge_index, a_Wl, a_Wr, a_bc, a_W1, a_b1, a_W2, a_b2, a_W3, a_b3,
           c_Wl, c_Wr, c_bc, c_W1, c_b1, c_W2, c_b2, c_W3, c_b3):
    src = edge_index[0]
    dst = edge_index[1]

    colsum = _colsum(x)
    xca, xcb = _center_split(x, colsum)
    agga, aggb = _sc_aggregate(xca, xcb, src, dst)

    aw = [a_Wl.T, a_Wr.T, a_bc.reshape(1, -1), a_W1.T, a_b1.reshape(1, -1),
          a_W2.T, a_b2.reshape(1, -1), a_W3.T, a_b3.reshape(1, -1)]
    cw = [c_Wl.T, c_Wr.T, c_bc.reshape(1, -1), c_W1.T, c_b1.reshape(1, -1),
          c_W2.T, c_b2.reshape(1, -1), c_W3.T, c_b3.reshape(1, -1)]
    conc2d, _, value = _dense(xca, xcb, agga, aggb, aw, cw)
    return conc2d.reshape(-1), value.reshape(OUT)

# --- scband reference (transcript-rebuilt; emitter-appended) ---
"""Pipeline reference for scband-a2-c-23192823398474 (READ-ONLY COPY).

The authoritative reference and input builder live on the scoring server;
editing this copy changes nothing except your own understanding.
"""

import jax, jax.numpy as jnp
import numpy as np

N = 10000
E = 160000
D = 256
OUT = 10
JITTER = 1e-3


def _init_w(key, shape, fan_in):
    return (jax.random.uniform(key, shape, dtype=jnp.float32) * 2.0 - 1.0) / np.sqrt(fan_in)


def setup_inputs(seed: int = 0) -> dict:
    key = jax.random.key(seed)
    ks = jax.random.split(key, 24)
    x = jax.random.normal(ks[0], (N, D), dtype=jnp.float32)
    edge_index = jax.random.randint(ks[1], (2, E), 0, N, dtype=jnp.int32)
    inp = {"x": x, "edge_index": edge_index}
    # Actor params: SAGEConv(D->256) + Linear(256->128) + Linear(128->32) + Linear(32->OUT)
    inp["a_Wl"] = _init_w(ks[2], (256, D), D)      # lin_l: neighbor aggregate
    inp["a_Wr"] = _init_w(ks[3], (256, D), D)      # lin_r: root
    inp["a_bc"] = jnp.zeros((256,), jnp.float32)
    inp["a_W1"] = _init_w(ks[4], (128, 256), 256)
    inp["a_b1"] = jnp.zeros((128,), jnp.float32)
    inp["a_W2"] = _init_w(ks[5], (32, 128), 128)
    inp["a_b2"] = jnp.zeros((32,), jnp.float32)
    inp["a_W3"] = _init_w(ks[6], (OUT, 32), 32)
    inp["a_b3"] = jnp.zeros((OUT,), jnp.float32)
    # Critic params
    inp["c_Wl"] = _init_w(ks[7], (256, D), D)
    inp["c_Wr"] = _init_w(ks[8], (256, D), D)
    inp["c_bc"] = jnp.zeros((256,), jnp.float32)
    inp["c_W1"] = _init_w(ks[9], (128, 256), 256)
    inp["c_b1"] = jnp.zeros((128,), jnp.float32)
    inp["c_W2"] = _init_w(ks[10], (32, 128), 128)
    inp["c_b2"] = jnp.zeros((32,), jnp.float32)
    inp["c_W3"] = _init_w(ks[11], (OUT, 32), 32)
    inp["c_b3"] = jnp.zeros((OUT,), jnp.float32)
    return inp


def _sage_conv(x, edge_index, Wl, Wr, b):
    # PyG SAGEConv (aggr='mean'): out = lin_l(mean_{j in N(i)} x_j) + lin_r(x_i)
    src = edge_index[0]
    dst = edge_index[1]
    msg = jnp.take(x, src, axis=0)
    agg = jax.ops.segment_sum(msg, dst, num_segments=N)
    deg = jax.ops.segment_sum(jnp.ones((msg.shape[0],), x.dtype), dst, num_segments=N)
    agg = agg / jnp.clip(deg, 1.0, None)[:, None]
    return agg @ Wl.T + b + x @ Wr.T


def reference(x, edge_index, a_Wl, a_Wr, a_bc, a_W1, a_b1, a_W2, a_b2, a_W3, a_b3,
              c_Wl, c_Wr, c_bc, c_W1, c_b1, c_W2, c_b2, c_W3, c_b3):
    # GNNParser.parse_obs: mean-center node features
    xc = x - jnp.mean(x, axis=0, keepdims=True)
    # Actor
    out = jax.nn.relu(_sage_conv(xc, edge_index, a_Wl, a_Wr, a_bc))
    h = out + xc
    h = jax.nn.relu(h @ a_W1.T + a_b1)
    h = jax.nn.relu(h @ a_W2.T + a_b2)
    a_out = h @ a_W3.T + a_b3
    concentration = jax.nn.softplus(a_out).reshape(-1) + JITTER
    # Critic
    outc = jax.nn.relu(_sage_conv(xc, edge_index, c_Wl, c_Wr, c_bc))
    hc = outc + xc
    hc = jnp.sum(hc, axis=0)
    hc = jax.nn.relu(hc @ c_W1.T + c_b1)
    hc = jax.nn.relu(hc @ c_W2.T + c_b2)
    value = hc @ c_W3.T + c_b3
    return (concentration, value)

if __name__ == "__main__":
    import jax
    _d = setup_inputs()
    print(jax.jit(kernel)(*tuple(_d.values())))

</pallas_src>

<mosaic_0001>
#map = affine_map<(d0, d1) -> (0, 0)>
#map1 = affine_map<(d0, d1) -> (0)>
module attributes {stable_mosaic.version = 14 : i64} {
  func.func @_sc_body(%arg0: i32, %arg1: i32, %arg2: memref<10000x144xf32, #tpu.memory_space<hbm>>, %arg3: memref<10000x144xf32, #tpu.memory_space<hbm>>, %arg4: memref<160000xi32, #tpu.memory_space<hbm>>, %arg5: memref<160000xi32, #tpu.memory_space<hbm>>, %arg6: memref<80x144xf32, #tpu.memory_space<hbm>>, %arg7: memref<10240x144xf32, #tpu.memory_space<hbm>>, %arg8: memref<10240x144xf32, #tpu.memory_space<hbm>>, %arg9: memref<10240x144xf32, #tpu.memory_space<vmem_shared>>, %arg10: memref<80xi32, #tpu.memory_space<vmem>>, %arg11: memref<80xi32, #tpu.memory_space<vmem>>, %arg12: memref<80x144xf32, #tpu.memory_space<vmem>>, %arg13: memref<!tpu.dma_semaphore, #tpu.memory_space<semaphore_mem>>) attributes {dimension_semantics = [#tpu.dimension_semantics<core_parallel>, #tpu.dimension_semantics<subcore_parallel>], iteration_bounds = array<i64: 2, 16>, scalar_prefetch = 0 : i64, scratch_operands = 5 : i64, tpu.core_type = #tpu.core_type<sc_vector_subcore>, window_params = [{transform_indices = #map}, {transform_indices = #map}, {transform_indices = #map1}, {transform_indices = #map1}, {transform_indices = #map}, {transform_indices = #map}, {transform_indices = #map}]} {
    %mul3A = arith.constant 640 : i32
    %mul3A_0 = arith.muli %arg1, %mul3A : i32
    "tpu.region"() ({
      %run_scoped3A = tpu.sem_alloc : memref<!tpu.dma_semaphore, #tpu.memory_space<semaphore_mem>>
      tpu.enqueue_dma source(%arg6 : memref<80x144xf32, #tpu.memory_space<hbm>>) target(%arg12 : memref<80x144xf32, #tpu.memory_space<vmem>>) target_semaphore(%run_scoped3A : memref<!tpu.dma_semaphore, #tpu.memory_space<semaphore_mem>>)
      tpu.wait_dma2 semaphore(%run_scoped3A : memref<!tpu.dma_semaphore, #tpu.memory_space<semaphore_mem>>) src(%arg6 : memref<80x144xf32, #tpu.memory_space<hbm>>) dst(%arg12 : memref<80x144xf32, #tpu.memory_space<vmem>>)
      tpu.yield
    }) : () -> ()
    %add3A = arith.constant 0 : i32
    %add3A_1 = arith.addi %mul3A_0, %add3A : i32
    "tpu.region"() ({
      %run_scoped3A = tpu.sem_alloc : memref<!tpu.dma_semaphore, #tpu.memory_space<semaphore_mem>>
      %dma_start3A = arith.constant 0 : i32
      %dma_start3A_34 = tpu.memref_slice %arg9[%add3A_1, %dma_start3A] : memref<10240x144xf32, #tpu.memory_space<vmem_shared>> -> memref<80x144xf32, #tpu.memory_space<vmem_shared>>
      %dma_start3A_35 = arith.constant 0 : i32
      %dma_start3A_36 = tpu.memref_slice %arg9[%add3A_1, %dma_start3A_35] : memref<10240x144xf32, #tpu.memory_space<vmem_shared>> -> memref<80x144xf32, #tpu.memory_space<vmem_shared>>
      tpu.enqueue_dma source(%arg12 : memref<80x144xf32, #tpu.memory_space<vmem>>) target(%dma_start3A_36 : memref<80x144xf32, #tpu.memory_space<vmem_shared>>) target_semaphore(%run_scoped3A : memref<!tpu.dma_semaphore, #tpu.memory_space<semaphore_mem>>)
      %dma_wait3A = arith.constant 0 : i32
      %dma_wait3A_37 = tpu.memref_slice %arg9[%add3A_1, %dma_wait3A] : memref<10240x144xf32, #tpu.memory_space<vmem_shared>> -> memref<80x144xf32, #tpu.memory_space<vmem_shared>>
      %dma_wait3A_38 = arith.constant 0 : i32
      %dma_wait3A_39 = tpu.memref_slice %arg9[%add3A_1, %dma_wait3A_38] : memref<10240x144xf32, #tpu.memory_space<vmem_shared>> -> memref<80x144xf32, #tpu.memory_space<vmem_shared>>
      tpu.wait_dma2 semaphore(%run_scoped3A : memref<!tpu.dma_semaphore, #tpu.memory_space<semaphore_mem>>) src(%arg12 : memref<80x144xf32, #tpu.memory_space<vmem>>) dst(%dma_wait3A_39 : memref<80x144xf32, #tpu.memory_space<vmem_shared>>)
      tpu.yield
    }) : () -> ()
    %add3A_2 = arith.constant 80 : i32
    %add3A_3 = arith.addi %mul3A_0, %add3A_2 : i32
    "tpu.region"() ({
      %run_scoped3A = tpu.sem_alloc : memref<!tpu.dma_semaphore, #tpu.memory_space<semaphore_mem>>
      %dma_start3A = arith.constant 0 : i32
      %dma_start3A_34 = tpu.memref_slice %arg9[%add3A_3, %dma_start3A] : memref<10240x144xf32, #tpu.memory_space<vmem_shared>> -> memref<80x144xf32, #tpu.memory_space<vmem_shared>>
      %dma_start3A_35 = arith.constant 0 : i32
      %dma_start3A_36 = tpu.memref_slice %arg9[%add3A_3, %dma_start3A_35] : memref<10240x144xf32, #tpu.memory_space<vmem_shared>> -> memref<80x144xf32, #tpu.memory_space<vmem_shared>>
      tpu.enqueue_dma source(%arg12 : memref<80x144xf32, #tpu.memory_space<vmem>>) target(%dma_start3A_36 : memref<80x144xf32, #tpu.memory_space<vmem_shared>>) target_semaphore(%run_scoped3A : memref<!tpu.dma_semaphore, #tpu.memory_space<semaphore_mem>>)
      %dma_wait3A = arith.constant 0 : i32
      %dma_wait3A_37 = tpu.memref_slice %arg9[%add3A_3, %dma_wait3A] : memref<10240x144xf32, #tpu.memory_space<vmem_shared>> -> memref<80x144xf32, #tpu.memory_space<vmem_shared>>
      %dma_wait3A_38 = arith.constant 0 : i32
      %dma_wait3A_39 = tpu.memref_slice %arg9[%add3A_3, %dma_wait3A_38] : memref<10240x144xf32, #tpu.memory_space<vmem_shared>> -> memref<80x144xf32, #tpu.memory_space<vmem_shared>>
      tpu.wait_dma2 semaphore(%run_scoped3A : memref<!tpu.dma_semaphore, #tpu.memory_space<semaphore_mem>>) src(%arg12 : memref<80x144xf32, #tpu.memory_space<vmem>>) dst(%dma_wait3A_39 : memref<80x144xf32, #tpu.memory_space<vmem_shared>>)
      tpu.yield
    }) : () -> ()
    %add3A_4 = arith.constant 160 : i32
    %add3A_5 = arith.addi %mul3A_0, %add3A_4 : i32
    "tpu.region"() ({
      %run_scoped3A = tpu.sem_alloc : memref<!tpu.dma_semaphore, #tpu.memory_space<semaphore_mem>>
      %dma_start3A = arith.constant 0 : i32
      %dma_start3A_34 = tpu.memref_slice %arg9[%add3A_5, %dma_start3A] : memref<10240x144xf32, #tpu.memory_space<vmem_shared>> -> memref<80x144xf32, #tpu.memory_space<vmem_shared>>
      %dma_start3A_35 = arith.constant 0 : i32
      %dma_start3A_36 = tpu.memref_slice %arg9[%add3A_5, %dma_start3A_35] : memref<10240x144xf32, #tpu.memory_space<vmem_shared>> -> memref<80x144xf32, #tpu.memory_space<vmem_shared>>
      tpu.enqueue_dma source(%arg12 : memref<80x144xf32, #tpu.memory_space<vmem>>) target(%dma_start3A_36 : memref<80x144xf32, #tpu.memory_space<vmem_shared>>) target_semaphore(%run_scoped3A : memref<!tpu.dma_semaphore, #tpu.memory_space<semaphore_mem>>)
      %dma_wait3A = arith.constant 0 : i32
      %dma_wait3A_37 = tpu.memref_slice %arg9[%add3A_5, %dma_wait3A] : memref<10240x144xf32, #tpu.memory_space<vmem_shared>> -> memref<80x144xf32, #tpu.memory_space<vmem_shared>>
      %dma_wait3A_38 = arith.constant 0 : i32
      %dma_wait3A_39 = tpu.memref_slice %arg9[%add3A_5, %dma_wait3A_38] : memref<10240x144xf32, #tpu.memory_space<vmem_shared>> -> memref<80x144xf32, #tpu.memory_space<vmem_shared>>
      tpu.wait_dma2 semaphore(%run_scoped3A : memref<!tpu.dma_semaphore, #tpu.memory_space<semaphore_mem>>) src(%arg12 : memref<80x144xf32, #tpu.memory_space<vmem>>) dst(%dma_wait3A_39 : memref<80x144xf32, #tpu.memory_space<vmem_shared>>)
      tpu.yield
    }) : () -> ()
    %add3A_6 = arith.constant 240 : i32
    %add3A_7 = arith.addi %mul3A_0, %add3A_6 : i32
    "tpu.region"() ({
      %run_scoped3A = tpu.sem_alloc : memref<!tpu.dma_semaphore, #tpu.memory_space<semaphore_mem>>
      %dma_start3A = arith.constant 0 : i32
      %dma_start3A_34 = tpu.memref_slice %arg9[%add3A_7, %dma_start3A] : memref<10240x144xf32, #tpu.memory_space<vmem_shared>> -> memref<80x144xf32, #tpu.memory_space<vmem_shared>>
      %dma_start3A_35 = arith.constant 0 : i32
      %dma_start3A_36 = tpu.memref_slice %arg9[%add3A_7, %dma_start3A_35] : memref<10240x144xf32, #tpu.memory_space<vmem_shared>> -> memref<80x144xf32, #tpu.memory_space<vmem_shared>>
      tpu.enqueue_dma source(%arg12 : memref<80x144xf32, #tpu.memory_space<vmem>>) target(%dma_start3A_36 : memref<80x144xf32, #tpu.memory_space<vmem_shared>>) target_semaphore(%run_scoped3A : memref<!tpu.dma_semaphore, #tpu.memory_space<semaphore_mem>>)
      %dma_wait3A = arith.constant 0 : i32
      %dma_wait3A_37 = tpu.memref_slice %arg9[%add3A_7, %dma_wait3A] : memref<10240x144xf32, #tpu.memory_space<vmem_shared>> -> memref<80x144xf32, #tpu.memory_space<vmem_shared>>
      %dma_wait3A_38 = arith.constant 0 : i32
      %dma_wait3A_39 = tpu.memref_slice %arg9[%add3A_7, %dma_wait3A_38] : memref<10240x144xf32, #tpu.memory_space<vmem_shared>> -> memref<80x144xf32, #tpu.memory_space<vmem_shared>>
      tpu.wait_dma2 semaphore(%run_scoped3A : memref<!tpu.dma_semaphore, #tpu.memory_space<semaphore_mem>>) src(%arg12 : memref<80x144xf32, #tpu.memory_space<vmem>>) dst(%dma_wait3A_39 : memref<80x144xf32, #tpu.memory_space<vmem_shared>>)
      tpu.yield
    }) : () -> ()
    %add3A_8 = arith.constant 320 : i32
    %add3A_9 = arith.addi %mul3A_0, %add3A_8 : i32
    "tpu.region"() ({
      %run_scoped3A = tpu.sem_alloc : memref<!tpu.dma_semaphore, #tpu.memory_space<semaphore_mem>>
      %dma_start3A = arith.constant 0 : i32
      %dma_start3A_34 = tpu.memref_slice %arg9[%add3A_9, %dma_start3A] : memref<10240x144xf32, #tpu.memory_space<vmem_shared>> -> memref<80x144xf32, #tpu.memory_space<vmem_shared>>
      %dma_start3A_35 = arith.constant 0 : i32
      %dma_start3A_36 = tpu.memref_slice %arg9[%add3A_9, %dma_start3A_35] : memref<10240x144xf32, #tpu.memory_space<vmem_shared>> -> memref<80x144xf32, #tpu.memory_space<vmem_shared>>
      tpu.enqueue_dma source(%arg12 : memref<80x144xf32, #tpu.memory_space<vmem>>) target(%dma_start3A_36 : memref<80x144xf32, #tpu.memory_space<vmem_shared>>) target_semaphore(%run_scoped3A : memref<!tpu.dma_semaphore, #tpu.memory_space<semaphore_mem>>)
      %dma_wait3A = arith.constant 0 : i32
      %dma_wait3A_37 = tpu.memref_slice %arg9[%add3A_9, %dma_wait3A] : memref<10240x144xf32, #tpu.memory_space<vmem_shared>> -> memref<80x144xf32, #tpu.memory_space<vmem_shared>>
      %dma_wait3A_38 = arith.constant 0 : i32
      %dma_wait3A_39 = tpu.memref_slice %arg9[%add3A_9, %dma_wait3A_38] : memref<10240x144xf32, #tpu.memory_space<vmem_shared>> -> memref<80x144xf32, #tpu.memory_space<vmem_shared>>
      tpu.wait_dma2 semaphore(%run_scoped3A : memref<!tpu.dma_semaphore, #tpu.memory_space<semaphore_mem>>) src(%arg12 : memref<80x144xf32, #tpu.memory_space<vmem>>) dst(%dma_wait3A_39 : memref<80x144xf32, #tpu.memory_space<vmem_shared>>)
      tpu.yield
    }) : () -> ()
    %add3A_10 = arith.constant 400 : i32
    %add3A_11 = arith.addi %mul3A_0, %add3A_10 : i32
    "tpu.region"() ({
      %run_scoped3A = tpu.sem_alloc : memref<!tpu.dma_semaphore, #tpu.memory_space<semaphore_mem>>
      %dma_start3A = arith.constant 0 : i32
      %dma_start3A_34 = tpu.memref_slice %arg9[%add3A_11, %dma_start3A] : memref<10240x144xf32, #tpu.memory_space<vmem_shared>> -> memref<80x144xf32, #tpu.memory_space<vmem_shared>>
      %dma_start3A_35 = arith.constant 0 : i32
      %dma_start3A_36 = tpu.memref_slice %arg9[%add3A_11, %dma_start3A_35] : memref<10240x144xf32, #tpu.memory_space<vmem_shared>> -> memref<80x144xf32, #tpu.memory_space<vmem_shared>>
      tpu.enqueue_dma source(%arg12 : memref<80x144xf32, #tpu.memory_space<vmem>>) target(%dma_start3A_36 : memref<80x144xf32, #tpu.memory_space<vmem_shared>>) target_semaphore(%run_scoped3A : memref<!tpu.dma_semaphore, #tpu.memory_space<semaphore_mem>>)
      %dma_wait3A = arith.constant 0 : i32
      %dma_wait3A_37 = tpu.memref_slice %arg9[%add3A_11, %dma_wait3A] : memref<10240x144xf32, #tpu.memory_space<vmem_shared>> -> memref<80x144xf32, #tpu.memory_space<vmem_shared>>
      %dma_wait3A_38 = arith.constant 0 : i32
      %dma_wait3A_39 = tpu.memref_slice %arg9[%add3A_11, %dma_wait3A_38] : memref<10240x144xf32, #tpu.memory_space<vmem_shared>> -> memref<80x144xf32, #tpu.memory_space<vmem_shared>>
      tpu.wait_dma2 semaphore(%run_scoped3A : memref<!tpu.dma_semaphore, #tpu.memory_space<semaphore_mem>>) src(%arg12 : memref<80x144xf32, #tpu.memory_space<vmem>>) dst(%dma_wait3A_39 : memref<80x144xf32, #tpu.memory_space<vmem_shared>>)
      tpu.yield
    }) : () -> ()
    %add3A_12 = arith.constant 480 : i32
    %add3A_13 = arith.addi %mul3A_0, %add3A_12 : i32
    "tpu.region"() ({
      %run_scoped3A = tpu.sem_alloc : memref<!tpu.dma_semaphore, #tpu.memory_space<semaphore_mem>>
      %dma_start3A = arith.constant 0 : i32
      %dma_start3A_34 = tpu.memref_slice %arg9[%add3A_13, %dma_start3A] : memref<10240x144xf32, #tpu.memory_space<vmem_shared>> -> memref<80x144xf32, #tpu.memory_space<vmem_shared>>
      %dma_start3A_35 = arith.constant 0 : i32
      %dma_start3A_36 = tpu.memref_slice %arg9[%add3A_13, %dma_start3A_35] : memref<10240x144xf32, #tpu.memory_space<vmem_shared>> -> memref<80x144xf32, #tpu.memory_space<vmem_shared>>
      tpu.enqueue_dma source(%arg12 : memref<80x144xf32, #tpu.memory_space<vmem>>) target(%dma_start3A_36 : memref<80x144xf32, #tpu.memory_space<vmem_shared>>) target_semaphore(%run_scoped3A : memref<!tpu.dma_semaphore, #tpu.memory_space<semaphore_mem>>)
      %dma_wait3A = arith.constant 0 : i32
      %dma_wait3A_37 = tpu.memref_slice %arg9[%add3A_13, %dma_wait3A] : memref<10240x144xf32, #tpu.memory_space<vmem_shared>> -> memref<80x144xf32, #tpu.memory_space<vmem_shared>>
      %dma_wait3A_38 = arith.constant 0 : i32
      %dma_wait3A_39 = tpu.memref_slice %arg9[%add3A_13, %dma_wait3A_38] : memref<10240x144xf32, #tpu.memory_space<vmem_shared>> -> memref<80x144xf32, #tpu.memory_space<vmem_shared>>
      tpu.wait_dma2 semaphore(%run_scoped3A : memref<!tpu.dma_semaphore, #tpu.memory_space<semaphore_mem>>) src(%arg12 : memref<80x144xf32, #tpu.memory_space<vmem>>) dst(%dma_wait3A_39 : memref<80x144xf32, #tpu.memory_space<vmem_shared>>)
      tpu.yield
    }) : () -> ()
    %add3A_14 = arith.constant 560 : i32
    %add3A_15 = arith.addi %mul3A_0, %add3A_14 : i32
    "tpu.region"() ({
      %run_scoped3A = tpu.sem_alloc : memref<!tpu.dma_semaphore, #tpu.memory_space<semaphore_mem>>
      %dma_start3A = arith.constant 0 : i32
      %dma_start3A_34 = tpu.memref_slice %arg9[%add3A_15, %dma_start3A] : memref<10240x144xf32, #tpu.memory_space<vmem_shared>> -> memref<80x144xf32, #tpu.memory_space<vmem_shared>>
      %dma_start3A_35 = arith.constant 0 : i32
      %dma_start3A_36 = tpu.memref_slice %arg9[%add3A_15, %dma_start3A_35] : memref<10240x144xf32, #tpu.memory_space<vmem_shared>> -> memref<80x144xf32, #tpu.memory_space<vmem_shared>>
      tpu.enqueue_dma source(%arg12 : memref<80x144xf32, #tpu.memory_space<vmem>>) target(%dma_start3A_36 : memref<80x144xf32, #tpu.memory_space<vmem_shared>>) target_semaphore(%run_scoped3A : memref<!tpu.dma_semaphore, #tpu.memory_space<semaphore_mem>>)
      %dma_wait3A = arith.constant 0 : i32
      %dma_wait3A_37 = tpu.memref_slice %arg9[%add3A_15, %dma_wait3A] : memref<10240x144xf32, #tpu.memory_space<vmem_shared>> -> memref<80x144xf32, #tpu.memory_space<vmem_shared>>
      %dma_wait3A_38 = arith.constant 0 : i32
      %dma_wait3A_39 = tpu.memref_slice %arg9[%add3A_15, %dma_wait3A_38] : memref<10240x144xf32, #tpu.memory_space<vmem_shared>> -> memref<80x144xf32, #tpu.memory_space<vmem_shared>>
      tpu.wait_dma2 semaphore(%run_scoped3A : memref<!tpu.dma_semaphore, #tpu.memory_space<semaphore_mem>>) src(%arg12 : memref<80x144xf32, #tpu.memory_space<vmem>>) dst(%dma_wait3A_39 : memref<80x144xf32, #tpu.memory_space<vmem_shared>>)
      tpu.yield
    }) : () -> ()
    %barrier3A = arith.constant 0 : index
    tpu.barrier barrier_id(%barrier3A)
    %eq3A = arith.constant 0 : i32
    %eq3A_16 = arith.cmpi eq, %arg0, %eq3A : i32
    %convert_element_type3A = arith.extui %eq3A_16 : i1 to i32
    %cond3A = arith.constant 0 : i32
    %cond3A_17 = arith.cmpi ne, %convert_element_type3A, %cond3A : i32
    scf.if %cond3A_17 {
      %scan3A = arith.constant 0 : i32
      %scan3A_34 = arith.constant 125 : i32
      %scan3A_35 = arith.addi %scan3A, %scan3A_34 : i32
      %scan3A_36 = arith.constant 1 : i32
      scf.for %scan3A_38 = %scan3A to %scan3A_35 step %scan3A_36  : i32 {
        %mul3A_39 = arith.constant 1 : i32
        %mul3A_40 = arith.muli %scan3A_38, %mul3A_39 : i32
        %add3A_41 = arith.constant 0 : i32
        %add3A_42 = arith.addi %add3A_41, %mul3A_40 : i32
        %mul3A_43 = arith.constant 10000 : i32
        %mul3A_44 = arith.muli %arg1, %mul3A_43 : i32
        %mul3A_45 = arith.constant 80 : i32
        %mul3A_46 = arith.muli %add3A_42, %mul3A_45 : i32
        %add3A_47 = arith.addi %mul3A_44, %mul3A_46 : i32
        "tpu.region"() ({
          %run_scoped3A = tpu.sem_alloc : memref<!tpu.dma_semaphore, #tpu.memory_space<semaphore_mem>>
          %dma_start3A_52 = tpu.memref_slice %arg4[%add3A_47] : memref<160000xi32, #tpu.memory_space<hbm>> -> memref<80xi32, #tpu.memory_space<hbm>>
          %dma_start3A_53 = tpu.memref_slice %arg4[%add3A_47] : memref<160000xi32, #tpu.memory_space<hbm>> -> memref<80xi32, #tpu.memory_space<hbm>>
          tpu.enqueue_dma source(%dma_start3A_53 : memref<80xi32, #tpu.memory_space<hbm>>) target(%arg10 : memref<80xi32, #tpu.memory_space<vmem>>) target_semaphore(%run_scoped3A : memref<!tpu.dma_semaphore, #tpu.memory_space<semaphore_mem>>)
          %dma_wait3A_54 = tpu.memref_slice %arg4[%add3A_47] : memref<160000xi32, #tpu.memory_space<hbm>> -> memref<80xi32, #tpu.memory_space<hbm>>
          %dma_wait3A_55 = tpu.memref_slice %arg4[%add3A_47] : memref<160000xi32, #tpu.memory_space<hbm>> -> memref<80xi32, #tpu.memory_space<hbm>>
          tpu.wait_dma2 semaphore(%run_scoped3A : memref<!tpu.dma_semaphore, #tpu.memory_space<semaphore_mem>>) src(%dma_wait3A_55 : memref<80xi32, #tpu.memory_space<hbm>>) dst(%arg10 : memref<80xi32, #tpu.memory_space<vmem>>)
          tpu.yield
        }) : () -> ()
        "tpu.region"() ({
          %run_scoped3A = tpu.sem_alloc : memref<!tpu.dma_semaphore, #tpu.memory_space<semaphore_mem>>
          %dma_start3A_52 = tpu.memref_slice %arg5[%add3A_47] : memref<160000xi32, #tpu.memory_space<hbm>> -> memref<80xi32, #tpu.memory_space<hbm>>
          %dma_start3A_53 = tpu.memref_slice %arg5[%add3A_47] : memref<160000xi32, #tpu.memory_space<hbm>> -> memref<80xi32, #tpu.memory_space<hbm>>
          tpu.enqueue_dma source(%dma_start3A_53 : memref<80xi32, #tpu.memory_space<hbm>>) target(%arg11 : memref<80xi32, #tpu.memory_space<vmem>>) target_semaphore(%run_scoped3A : memref<!tpu.dma_semaphore, #tpu.memory_space<semaphore_mem>>)
          %dma_wait3A_54 = tpu.memref_slice %arg5[%add3A_47] : memref<160000xi32, #tpu.memory_space<hbm>> -> memref<80xi32, #tpu.memory_space<hbm>>
          %dma_wait3A_55 = tpu.memref_slice %arg5[%add3A_47] : memref<160000xi32, #tpu.memory_space<hbm>> -> memref<80xi32, #tpu.memory_space<hbm>>
          tpu.wait_dma2 semaphore(%run_scoped3A : memref<!tpu.dma_semaphore, #tpu.memory_space<semaphore_mem>>) src(%dma_wait3A_55 : memref<80xi32, #tpu.memory_space<hbm>>) dst(%arg11 : memref<80xi32, #tpu.memory_space<vmem>>)
          tpu.yield
        }) : () -> ()
        %dma_start3A = arith.constant 0 : i32
        %dma_start3A_48 = arith.constant 0 : i32
        %dma_start3A_49 = tpu.memref_slice %arg2[%dma_start3A, %dma_start3A_48] : memref<10000x144xf32, #tpu.memory_space<hbm>> -> memref<10000x144xf32, #tpu.memory_space<hbm>>
        tpu.enqueue_indirect_dma source(%dma_start3A_49 : memref<10000x144xf32, #tpu.memory_space<hbm>>) target(%arg12 : memref<80x144xf32, #tpu.memory_space<vmem>>) offsets(%arg10 : memref<80xi32, #tpu.memory_space<vmem>>) semaphore(%arg13 : memref<!tpu.dma_semaphore, #tpu.memory_space<semaphore_mem>>)
        %dma_wait3A = arith.constant 0 : i32
        %dma_wait3A_50 = arith.constant 0 : i32
        %dma_wait3A_51 = tpu.memref_slice %arg2[%dma_wait3A, %dma_wait3A_50] : memref<10000x144xf32, #tpu.memory_space<hbm>> -> memref<10000x144xf32, #tpu.memory_space<hbm>>
        tpu.wait_indirect_dma semaphore(%arg13 : memref<!tpu.dma_semaphore, #tpu.memory_space<semaphore_mem>>) src(%dma_wait3A_51 : memref<10000x144xf32, #tpu.memory_space<hbm>>) dst(%arg12 : memref<80x144xf32, #tpu.memory_space<vmem>>)
        "tpu.region"() ({
          %run_scoped3A = tpu.sem_alloc : memref<!tpu.dma_semaphore, #tpu.memory_space<semaphore_mem>>
          %dma_start3A_52 = arith.constant 0 : i32
          %dma_start3A_53 = arith.constant 0 : i32
          %dma_start3A_54 = tpu.memref_slice %arg9[%dma_start3A_52, %dma_start3A_53] : memref<10240x144xf32, #tpu.memory_space<vmem_shared>> -> memref<10240x144xf32, #tpu.memory_space<vmem_shared>>
          tpu.enqueue_indirect_dma source(%arg12 : memref<80x144xf32, #tpu.memory_space<vmem>>) target(%dma_start3A_54 : memref<10240x144xf32, #tpu.memory_space<vmem_shared>>) offsets(%arg11 : memref<80xi32, #tpu.memory_space<vmem>>) semaphore(%run_scoped3A : memref<!tpu.dma_semaphore, #tpu.memory_space<semaphore_mem>>) {add = true}
          %dma_wait3A_55 = arith.constant 0 : i32
          %dma_wait3A_56 = arith.constant 0 : i32
          %dma_wait3A_57 = tpu.memref_slice %arg9[%dma_wait3A_55, %dma_wait3A_56] : memref<10240x144xf32, #tpu.memory_space<vmem_shared>> -> memref<10240x144xf32, #tpu.memory_space<vmem_shared>>
          tpu.wait_indirect_dma semaphore(%run_scoped3A : memref<!tpu.dma_semaphore, #tpu.memory_space<semaphore_mem>>) src(%arg12 : memref<80x144xf32, #tpu.memory_space<vmem>>) dst(%dma_wait3A_57 : memref<10240x144xf32, #tpu.memory_space<vmem_shared>>)
          tpu.yield
        }) : () -> ()
      }
      %scan3A_37 = arith.constant 125 : i32
    } else {
    }
    %eq3A_18 = arith.constant 1 : i32
    %eq3A_19 = arith.cmpi eq, %arg0, %eq3A_18 : i32
    %convert_element_type3A_20 = arith.extui %eq3A_19 : i1 to i32
    %cond3A_21 = arith.constant 0 : i32
    %cond3A_22 = arith.cmpi ne, %convert_element_type3A_20, %cond3A_21 : i32
    scf.if %cond3A_22 {
      %scan3A = arith.constant 0 : i32
      %scan3A_34 = arith.constant 125 : i32
      %scan3A_35 = arith.addi %scan3A, %scan3A_34 : i32
      %scan3A_36 = arith.constant 1 : i32
      scf.for %scan3A_38 = %scan3A to %scan3A_35 step %scan3A_36  : i32 {
        %mul3A_39 = arith.constant 1 : i32
        %mul3A_40 = arith.muli %scan3A_38, %mul3A_39 : i32
        %add3A_41 = arith.constant 0 : i32
        %add3A_42 = arith.addi %add3A_41, %mul3A_40 : i32
        %mul3A_43 = arith.constant 10000 : i32
        %mul3A_44 = arith.muli %arg1, %mul3A_43 : i32
        %mul3A_45 = arith.constant 80 : i32
        %mul3A_46 = arith.muli %add3A_42, %mul3A_45 : i32
        %add3A_47 = arith.addi %mul3A_44, %mul3A_46 : i32
        "tpu.region"() ({
          %run_scoped3A = tpu.sem_alloc : memref<!tpu.dma_semaphore, #tpu.memory_space<semaphore_mem>>
          %dma_start3A_52 = tpu.memref_slice %arg4[%add3A_47] : memref<160000xi32, #tpu.memory_space<hbm>> -> memref<80xi32, #tpu.memory_space<hbm>>
          %dma_start3A_53 = tpu.memref_slice %arg4[%add3A_47] : memref<160000xi32, #tpu.memory_space<hbm>> -> memref<80xi32, #tpu.memory_space<hbm>>
          tpu.enqueue_dma source(%dma_start3A_53 : memref<80xi32, #tpu.memory_space<hbm>>) target(%arg10 : memref<80xi32, #tpu.memory_space<vmem>>) target_semaphore(%run_scoped3A : memref<!tpu.dma_semaphore, #tpu.memory_space<semaphore_mem>>)
          %dma_wait3A_54 = tpu.memref_slice %arg4[%add3A_47] : memref<160000xi32, #tpu.memory_space<hbm>> -> memref<80xi32, #tpu.memory_space<hbm>>
          %dma_wait3A_55 = tpu.memref_slice %arg4[%add3A_47] : memref<160000xi32, #tpu.memory_space<hbm>> -> memref<80xi32, #tpu.memory_space<hbm>>
          tpu.wait_dma2 semaphore(%run_scoped3A : memref<!tpu.dma_semaphore, #tpu.memory_space<semaphore_mem>>) src(%dma_wait3A_55 : memref<80xi32, #tpu.memory_space<hbm>>) dst(%arg10 : memref<80xi32, #tpu.memory_space<vmem>>)
          tpu.yield
        }) : () -> ()
        "tpu.region"() ({
          %run_scoped3A = tpu.sem_alloc : memref<!tpu.dma_semaphore, #tpu.memory_space<semaphore_mem>>
          %dma_start3A_52 = tpu.memref_slice %arg5[%add3A_47] : memref<160000xi32, #tpu.memory_space<hbm>> -> memref<80xi32, #tpu.memory_space<hbm>>
          %dma_start3A_53 = tpu.memref_slice %arg5[%add3A_47] : memref<160000xi32, #tpu.memory_space<hbm>> -> memref<80xi32, #tpu.memory_space<hbm>>
          tpu.enqueue_dma source(%dma_start3A_53 : memref<80xi32, #tpu.memory_space<hbm>>) target(%arg11 : memref<80xi32, #tpu.memory_space<vmem>>) target_semaphore(%run_scoped3A : memref<!tpu.dma_semaphore, #tpu.memory_space<semaphore_mem>>)
          %dma_wait3A_54 = tpu.memref_slice %arg5[%add3A_47] : memref<160000xi32, #tpu.memory_space<hbm>> -> memref<80xi32, #tpu.memory_space<hbm>>
          %dma_wait3A_55 = tpu.memref_slice %arg5[%add3A_47] : memref<160000xi32, #tpu.memory_space<hbm>> -> memref<80xi32, #tpu.memory_space<hbm>>
          tpu.wait_dma2 semaphore(%run_scoped3A : memref<!tpu.dma_semaphore, #tpu.memory_space<semaphore_mem>>) src(%dma_wait3A_55 : memref<80xi32, #tpu.memory_space<hbm>>) dst(%arg11 : memref<80xi32, #tpu.memory_space<vmem>>)
          tpu.yield
        }) : () -> ()
        %dma_start3A = arith.constant 0 : i32
        %dma_start3A_48 = arith.constant 0 : i32
        %dma_start3A_49 = tpu.memref_slice %arg3[%dma_start3A, %dma_start3A_48] : memref<10000x144xf32, #tpu.memory_space<hbm>> -> memref<10000x144xf32, #tpu.memory_space<hbm>>
        tpu.enqueue_indirect_dma source(%dma_start3A_49 : memref<10000x144xf32, #tpu.memory_space<hbm>>) target(%arg12 : memref<80x144xf32, #tpu.memory_space<vmem>>) offsets(%arg10 : memref<80xi32, #tpu.memory_space<vmem>>) semaphore(%arg13 : memref<!tpu.dma_semaphore, #tpu.memory_space<semaphore_mem>>)
        %dma_wait3A = arith.constant 0 : i32
        %dma_wait3A_50 = arith.constant 0 : i32
        %dma_wait3A_51 = tpu.memref_slice %arg3[%dma_wait3A, %dma_wait3A_50] : memref<10000x144xf32, #tpu.memory_space<hbm>> -> memref<10000x144xf32, #tpu.memory_space<hbm>>
        tpu.wait_indirect_dma semaphore(%arg13 : memref<!tpu.dma_semaphore, #tpu.memory_space<semaphore_mem>>) src(%dma_wait3A_51 : memref<10000x144xf32, #tpu.memory_space<hbm>>) dst(%arg12 : memref<80x144xf32, #tpu.memory_space<vmem>>)
        "tpu.region"() ({
          %run_scoped3A = tpu.sem_alloc : memref<!tpu.dma_semaphore, #tpu.memory_space<semaphore_mem>>
          %dma_start3A_52 = arith.constant 0 : i32
          %dma_start3A_53 = arith.constant 0 : i32
          %dma_start3A_54 = tpu.memref_slice %arg9[%dma_start3A_52, %dma_start3A_53] : memref<10240x144xf32, #tpu.memory_space<vmem_shared>> -> memref<10240x144xf32, #tpu.memory_space<vmem_shared>>
          tpu.enqueue_indirect_dma source(%arg12 : memref<80x144xf32, #tpu.memory_space<vmem>>) target(%dma_start3A_54 : memref<10240x144xf32, #tpu.memory_space<vmem_shared>>) offsets(%arg11 : memref<80xi32, #tpu.memory_space<vmem>>) semaphore(%run_scoped3A : memref<!tpu.dma_semaphore, #tpu.memory_space<semaphore_mem>>) {add = true}
          %dma_wait3A_55 = arith.constant 0 : i32
          %dma_wait3A_56 = arith.constant 0 : i32
          %dma_wait3A_57 = tpu.memref_slice %arg9[%dma_wait3A_55, %dma_wait3A_56] : memref<10240x144xf32, #tpu.memory_space<vmem_shared>> -> memref<10240x144xf32, #tpu.memory_space<vmem_shared>>
          tpu.wait_indirect_dma semaphore(%run_scoped3A : memref<!tpu.dma_semaphore, #tpu.memory_space<semaphore_mem>>) src(%arg12 : memref<80x144xf32, #tpu.memory_space<vmem>>) dst(%dma_wait3A_57 : memref<10240x144xf32, #tpu.memory_space<vmem_shared>>)
          tpu.yield
        }) : () -> ()
      }
      %scan3A_37 = arith.constant 125 : i32
    } else {
    }
    %barrier3A_23 = arith.constant 0 : index
    tpu.barrier barrier_id(%barrier3A_23)
    %eq3A_24 = arith.constant 0 : i32
    %eq3A_25 = arith.cmpi eq, %arg0, %eq3A_24 : i32
    %convert_element_type3A_26 = arith.extui %eq3A_25 : i1 to i32
    %cond3A_27 = arith.constant 0 : i32
    %cond3A_28 = arith.cmpi ne, %convert_element_type3A_26, %cond3A_27 : i32
    scf.if %cond3A_28 {
      %scan3A = arith.constant 0 : i32
      %scan3A_34 = arith.constant 8 : i32
      %scan3A_35 = arith.addi %scan3A, %scan3A_34 : i32
      %scan3A_36 = arith.constant 1 : i32
      scf.for %scan3A_38 = %scan3A to %scan3A_35 step %scan3A_36  : i32 {
        %mul3A_39 = arith.constant 1 : i32
        %mul3A_40 = arith.muli %scan3A_38, %mul3A_39 : i32
        %add3A_41 = arith.constant 0 : i32
        %add3A_42 = arith.addi %add3A_41, %mul3A_40 : i32
        %mul3A_43 = arith.constant 80 : i32
        %mul3A_44 = arith.muli %add3A_42, %mul3A_43 : i32
        %add3A_45 = arith.addi %mul3A_0, %mul3A_44 : i32
        "tpu.region"() ({
          %run_scoped3A = tpu.sem_alloc : memref<!tpu.dma_semaphore, #tpu.memory_space<semaphore_mem>>
          %dma_start3A = arith.constant 0 : i32
          %dma_start3A_46 = tpu.memref_slice %arg9[%add3A_45, %dma_start3A] : memref<10240x144xf32, #tpu.memory_space<vmem_shared>> -> memref<80x144xf32, #tpu.memory_space<vmem_shared>>
          %dma_start3A_47 = arith.constant 0 : i32
          %dma_start3A_48 = tpu.memref_slice %arg9[%add3A_45, %dma_start3A_47] : memref<10240x144xf32, #tpu.memory_space<vmem_shared>> -> memref<80x144xf32, #tpu.memory_space<vmem_shared>>
          tpu.enqueue_dma source(%dma_start3A_48 : memref<80x144xf32, #tpu.memory_space<vmem_shared>>) target(%arg12 : memref<80x144xf32, #tpu.memory_space<vmem>>) target_semaphore(%run_scoped3A : memref<!tpu.dma_semaphore, #tpu.memory_space<semaphore_mem>>)
          %dma_wait3A = arith.constant 0 : i32
          %dma_wait3A_49 = tpu.memref_slice %arg9[%add3A_45, %dma_wait3A] : memref<10240x144xf32, #tpu.memory_space<vmem_shared>> -> memref<80x144xf32, #tpu.memory_space<vmem_shared>>
          %dma_wait3A_50 = arith.constant 0 : i32
          %dma_wait3A_51 = tpu.memref_slice %arg9[%add3A_45, %dma_wait3A_50] : memref<10240x144xf32, #tpu.memory_space<vmem_shared>> -> memref<80x144xf32, #tpu.memory_space<vmem_shared>>
          tpu.wait_dma2 semaphore(%run_scoped3A : memref<!tpu.dma_semaphore, #tpu.memory_space<semaphore_mem>>) src(%dma_wait3A_51 : memref<80x144xf32, #tpu.memory_space<vmem_shared>>) dst(%arg12 : memref<80x144xf32, #tpu.memory_space<vmem>>)
          tpu.yield
        }) : () -> ()
        "tpu.region"() ({
          %run_scoped3A = tpu.sem_alloc : memref<!tpu.dma_semaphore, #tpu.memory_space<semaphore_mem>>
          %dma_start3A = arith.constant 0 : i32
          %dma_start3A_46 = tpu.memref_slice %arg7[%add3A_45, %dma_start3A] : memref<10240x144xf32, #tpu.memory_space<hbm>> -> memref<80x144xf32, #tpu.memory_space<hbm>>
          %dma_start3A_47 = arith.constant 0 : i32
          %dma_start3A_48 = tpu.memref_slice %arg7[%add3A_45, %dma_start3A_47] : memref<10240x144xf32, #tpu.memory_space<hbm>> -> memref<80x144xf32, #tpu.memory_space<hbm>>
          tpu.enqueue_dma source(%arg12 : memref<80x144xf32, #tpu.memory_space<vmem>>) target(%dma_start3A_48 : memref<80x144xf32, #tpu.memory_space<hbm>>) target_semaphore(%run_scoped3A : memref<!tpu.dma_semaphore, #tpu.memory_space<semaphore_mem>>)
          %dma_wait3A = arith.constant 0 : i32
          %dma_wait3A_49 = tpu.memref_slice %arg7[%add3A_45, %dma_wait3A] : memref<10240x144xf32, #tpu.memory_space<hbm>> -> memref<80x144xf32, #tpu.memory_space<hbm>>
          %dma_wait3A_50 = arith.constant 0 : i32
          %dma_wait3A_51 = tpu.memref_slice %arg7[%add3A_45, %dma_wait3A_50] : memref<10240x144xf32, #tpu.memory_space<hbm>> -> memref<80x144xf32, #tpu.memory_space<hbm>>
          tpu.wait_dma2 semaphore(%run_scoped3A : memref<!tpu.dma_semaphore, #tpu.memory_space<semaphore_mem>>) src(%arg12 : memref<80x144xf32, #tpu.memory_space<vmem>>) dst(%dma_wait3A_51 : memref<80x144xf32, #tpu.memory_space<hbm>>)
          tpu.yield
        }) : () -> ()
      }
      %scan3A_37 = arith.constant 8 : i32
    } else {
    }
    %eq3A_29 = arith.constant 1 : i32
    %eq3A_30 = arith.cmpi eq, %arg0, %eq3A_29 : i32
    %convert_element_type3A_31 = arith.extui %eq3A_30 : i1 to i32
    %cond3A_32 = arith.constant 0 : i32
    %cond3A_33 = arith.cmpi ne, %convert_element_type3A_31, %cond3A_32 : i32
    scf.if %cond3A_33 {
      %scan3A = arith.constant 0 : i32
      %scan3A_34 = arith.constant 8 : i32
      %scan3A_35 = arith.addi %scan3A, %scan3A_34 : i32
      %scan3A_36 = arith.constant 1 : i32
      scf.for %scan3A_38 = %scan3A to %scan3A_35 step %scan3A_36  : i32 {
        %mul3A_39 = arith.constant 1 : i32
        %mul3A_40 = arith.muli %scan3A_38, %mul3A_39 : i32
        %add3A_41 = arith.constant 0 : i32
        %add3A_42 = arith.addi %add3A_41, %mul3A_40 : i32
        %mul3A_43 = arith.constant 80 : i32
        %mul3A_44 = arith.muli %add3A_42, %mul3A_43 : i32
        %add3A_45 = arith.addi %mul3A_0, %mul3A_44 : i32
        "tpu.region"() ({
          %run_scoped3A = tpu.sem_alloc : memref<!tpu.dma_semaphore, #tpu.memory_space<semaphore_mem>>
          %dma_start3A = arith.constant 0 : i32
          %dma_start3A_46 = tpu.memref_slice %arg9[%add3A_45, %dma_start3A] : memref<10240x144xf32, #tpu.memory_space<vmem_shared>> -> memref<80x144xf32, #tpu.memory_space<vmem_shared>>
          %dma_start3A_47 = arith.constant 0 : i32
          %dma_start3A_48 = tpu.memref_slice %arg9[%add3A_45, %dma_start3A_47] : memref<10240x144xf32, #tpu.memory_space<vmem_shared>> -> memref<80x144xf32, #tpu.memory_space<vmem_shared>>
          tpu.enqueue_dma source(%dma_start3A_48 : memref<80x144xf32, #tpu.memory_space<vmem_shared>>) target(%arg12 : memref<80x144xf32, #tpu.memory_space<vmem>>) target_semaphore(%run_scoped3A : memref<!tpu.dma_semaphore, #tpu.memory_space<semaphore_mem>>)
          %dma_wait3A = arith.constant 0 : i32
          %dma_wait3A_49 = tpu.memref_slice %arg9[%add3A_45, %dma_wait3A] : memref<10240x144xf32, #tpu.memory_space<vmem_shared>> -> memref<80x144xf32, #tpu.memory_space<vmem_shared>>
          %dma_wait3A_50 = arith.constant 0 : i32
          %dma_wait3A_51 = tpu.memref_slice %arg9[%add3A_45, %dma_wait3A_50] : memref<10240x144xf32, #tpu.memory_space<vmem_shared>> -> memref<80x144xf32, #tpu.memory_space<vmem_shared>>
          tpu.wait_dma2 semaphore(%run_scoped3A : memref<!tpu.dma_semaphore, #tpu.memory_space<semaphore_mem>>) src(%dma_wait3A_51 : memref<80x144xf32, #tpu.memory_space<vmem_shared>>) dst(%arg12 : memref<80x144xf32, #tpu.memory_space<vmem>>)
          tpu.yield
        }) : () -> ()
        "tpu.region"() ({
          %run_scoped3A = tpu.sem_alloc : memref<!tpu.dma_semaphore, #tpu.memory_space<semaphore_mem>>
          %dma_start3A = arith.constant 0 : i32
          %dma_start3A_46 = tpu.memref_slice %arg8[%add3A_45, %dma_start3A] : memref<10240x144xf32, #tpu.memory_space<hbm>> -> memref<80x144xf32, #tpu.memory_space<hbm>>
          %dma_start3A_47 = arith.constant 0 : i32
          %dma_start3A_48 = tpu.memref_slice %arg8[%add3A_45, %dma_start3A_47] : memref<10240x144xf32, #tpu.memory_space<hbm>> -> memref<80x144xf32, #tpu.memory_space<hbm>>
          tpu.enqueue_dma source(%arg12 : memref<80x144xf32, #tpu.memory_space<vmem>>) target(%dma_start3A_48 : memref<80x144xf32, #tpu.memory_space<hbm>>) target_semaphore(%run_scoped3A : memref<!tpu.dma_semaphore, #tpu.memory_space<semaphore_mem>>)
          %dma_wait3A = arith.constant 0 : i32
          %dma_wait3A_49 = tpu.memref_slice %arg8[%add3A_45, %dma_wait3A] : memref<10240x144xf32, #tpu.memory_space<hbm>> -> memref<80x144xf32, #tpu.memory_space<hbm>>
          %dma_wait3A_50 = arith.constant 0 : i32
          %dma_wait3A_51 = tpu.memref_slice %arg8[%add3A_45, %dma_wait3A_50] : memref<10240x144xf32, #tpu.memory_space<hbm>> -> memref<80x144xf32, #tpu.memory_space<hbm>>
          tpu.wait_dma2 semaphore(%run_scoped3A : memref<!tpu.dma_semaphore, #tpu.memory_space<semaphore_mem>>) src(%arg12 : memref<80x144xf32, #tpu.memory_space<vmem>>) dst(%dma_wait3A_51 : memref<80x144xf32, #tpu.memory_space<hbm>>)
          tpu.yield
        }) : () -> ()
      }
      %scan3A_37 = arith.constant 8 : i32
    } else {
    }
    return
  }
}

module attributes {stable_mosaic.version = 14 : i64} {
  func.func @_colsum_body(%arg0: i32, %arg1: memref<1000x256xf32, #tpu.memory_space<vmem>>, %arg2: memref<1x256xf32, #tpu.memory_space<vmem>>) attributes {dimension_semantics = [#tpu.dimension_semantics<arbitrary>], iteration_bounds = array<i64: 10>, scalar_prefetch = 0 : i64, scratch_operands = 0 : i64, tpu.core_type = #tpu.core_type<tc>, window_params = [{transform_indices = @transform_0, window_bounds = array<i64: 1000, 256>}, {pipeline_mode = #tpu.pipeline_mode<synchronous>, transform_indices = @transform_1, window_bounds = array<i64: 1, 256>}]} {
    %eq3A = arith.constant 0 : i32
    %eq3A_0 = arith.cmpi eq, %arg0, %eq3A : i32
    %convert_element_type3A = arith.extui %eq3A_0 : i1 to i32
    %cond3A = arith.constant 0 : i32
    %cond3A_1 = arith.cmpi ne, %convert_element_type3A, %cond3A : i32
    scf.if %cond3A_1 {
      %broadcast_in_dim3A_10 = arith.constant 0.000000e+00 : f32
      %broadcast_in_dim3A_11 = vector.broadcast %broadcast_in_dim3A_10 : f32 to vector<1x256xf32>
      %swap3A_12 = arith.constant 0 : index
      %swap3A_13 = arith.constant 0 : index
      %swap3A_14 = vector.load %arg2[%swap3A_12, %swap3A_13] : memref<1x256xf32, #tpu.memory_space<vmem>>, vector<1x256xf32>
      tpu.vector_store %arg2[%swap3A_12, %swap3A_13], %broadcast_in_dim3A_11 {strides = array<i32>} : memref<1x256xf32, #tpu.memory_space<vmem>>, vector<1x256xf32>,
    } else {
    }
    %get3A = arith.constant 0 : index
    %get3A_2 = arith.constant 0 : index
    %get3A_3 = vector.load %arg2[%get3A, %get3A_2] : memref<1x256xf32, #tpu.memory_space<vmem>>, vector<1x256xf32>
    %get3A_4 = arith.constant 0 : index
    %get3A_5 = arith.constant 0 : index
    %get3A_6 = vector.load %arg1[%get3A_4, %get3A_5] : memref<1000x256xf32, #tpu.memory_space<vmem>>, vector<1000x256xf32>
    %reduce_sum3A = arith.constant dense<0.000000e+00> : vector<256xf32>
    %reduce_sum3A_7 = vector.multi_reduction <add>, %get3A_6, %reduce_sum3A [0] : vector<1000x256xf32> to vector<256xf32>
    %broadcast_in_dim3A = vector.shape_cast %reduce_sum3A_7 : vector<256xf32> to vector<1x256xf32>
    %add3A = arith.addf %get3A_3, %broadcast_in_dim3A : vector<1x256xf32>
    %swap3A = arith.constant 0 : index
    %swap3A_8 = arith.constant 0 : index
    %swap3A_9 = vector.load %arg2[%swap3A, %swap3A_8] : memref<1x256xf32, #tpu.memory_space<vmem>>, vector<1x256xf32>
    tpu.vector_store %arg2[%swap3A, %swap3A_8], %add3A {strides = array<i32>} : memref<1x256xf32, #tpu.memory_space<vmem>>, vector<1x256xf32>,
    return
  }
  func.func @transform_0(%arg0: i32) -> (i32, i32) {
    %c0_i32 = arith.constant 0 : i32
    %c0_i32_0 = arith.constant 0 : i32
    return %arg0, %c0_i32 : i32, i32
  }
  func.func @transform_1(%arg0: i32) -> (i32, i32) {
    %c0_i32 = arith.constant 0 : i32
    %c0_i32_0 = arith.constant 0 : i32
    %c0_i32_1 = arith.constant 0 : i32
    return %c0_i32, %c0_i32_0 : i32, i32
  }
}

module attributes {stable_mosaic.version = 14 : i64} {
  func.func @_center_body(%arg0: i32, %arg1: memref<1000x256xf32, #tpu.memory_space<vmem>>, %arg2: memref<1x256xf32, #tpu.memory_space<vmem>>, %arg3: memref<1000x144xf32, #tpu.memory_space<vmem>>, %arg4: memref<1000x144xf32, #tpu.memory_space<vmem>>) attributes {dimension_semantics = [#tpu.dimension_semantics<arbitrary>], iteration_bounds = array<i64: 10>, scalar_prefetch = 0 : i64, scratch_operands = 0 : i64, tpu.core_type = #tpu.core_type<tc>, window_params = [{transform_indices = @transform_0, window_bounds = array<i64: 1000, 256>}, {pipeline_mode = #tpu.pipeline_mode<synchronous>, transform_indices = @transform_1, window_bounds = array<i64: 1, 256>}, {transform_indices = @transform_2, window_bounds = array<i64: 1000, 144>}, {transform_indices = @transform_3, window_bounds = array<i64: 1000, 144>}]} {
    %get3A = arith.constant 0 : index
    %get3A_0 = arith.constant 0 : index
    %get3A_1 = vector.load %arg1[%get3A, %get3A_0] : memref<1000x256xf32, #tpu.memory_space<vmem>>, vector<1000x256xf32>
    %get3A_2 = arith.constant 0 : index
    %get3A_3 = arith.constant 0 : index
    %get3A_4 = vector.load %arg2[%get3A_2, %get3A_3] : memref<1x256xf32, #tpu.memory_space<vmem>>, vector<1x256xf32>
    %mul3A = arith.constant 9.99999974E-5 : f32
    %mul3A_5 = vector.broadcast %mul3A : f32 to vector<1x256xf32>
    %mul3A_6 = arith.mulf %get3A_4, %mul3A_5 : vector<1x256xf32>
    %sub3A = vector.broadcast %mul3A_6 : vector<1x256xf32> to vector<1000x256xf32>
    %sub3A_7 = arith.subf %get3A_1, %sub3A : vector<1000x256xf32>
    %broadcast_in_dim3A = arith.constant 1.000000e+00 : f32
    %broadcast_in_dim3A_8 = vector.broadcast %broadcast_in_dim3A : f32 to vector<1000x16xf32>
    %slice3A = vector.extract_strided_slice %sub3A_7 {offsets = [0, 0], sizes = [1000, 128], strides = [1, 1]} : vector<1000x256xf32> to vector<1000x128xf32>
    %concatenate3A = tpu.concatenate %slice3A, %broadcast_in_dim3A_8 in 1 : vector<1000x128xf32>, vector<1000x16xf32> -> vector<1000x144xf32>
    %swap3A = arith.constant 0 : index
    %swap3A_9 = arith.constant 0 : index
    %swap3A_10 = vector.load %arg3[%swap3A, %swap3A_9] : memref<1000x144xf32, #tpu.memory_space<vmem>>, vector<1000x144xf32>
    tpu.vector_store %arg3[%swap3A, %swap3A_9], %concatenate3A {strides = array<i32>} : memref<1000x144xf32, #tpu.memory_space<vmem>>, vector<1000x144xf32>,
    %slice3A_11 = vector.extract_strided_slice %sub3A_7 {offsets = [0, 128], sizes = [1000, 128], strides = [1, 1]} : vector<1000x256xf32> to vector<1000x128xf32>
    %concatenate3A_12 = tpu.concatenate %slice3A_11, %broadcast_in_dim3A_8 in 1 : vector<1000x128xf32>, vector<1000x16xf32> -> vector<1000x144xf32>
    %swap3A_13 = arith.constant 0 : index
    %swap3A_14 = arith.constant 0 : index
    %swap3A_15 = vector.load %arg4[%swap3A_13, %swap3A_14] : memref<1000x144xf32, #tpu.memory_space<vmem>>, vector<1000x144xf32>
    tpu.vector_store %arg4[%swap3A_13, %swap3A_14], %concatenate3A_12 {strides = array<i32>} : memref<1000x144xf32, #tpu.memory_space<vmem>>, vector<1000x144xf32>,
    return
  }
  func.func @transform_0(%arg0: i32) -> (i32, i32) {
    %c0_i32 = arith.constant 0 : i32
    %c0_i32_0 = arith.constant 0 : i32
    return %arg0, %c0_i32 : i32, i32
  }
  func.func @transform_1(%arg0: i32) -> (i32, i32) {
    %c0_i32 = arith.constant 0 : i32
    %c0_i32_0 = arith.constant 0 : i32
    %c0_i32_1 = arith.constant 0 : i32
    return %c0_i32, %c0_i32_0 : i32, i32
  }
  func.func @transform_2(%arg0: i32) -> (i32, i32) {
    %c0_i32 = arith.constant 0 : i32
    %c0_i32_0 = arith.constant 0 : i32
    return %arg0, %c0_i32 : i32, i32
  }
  func.func @transform_3(%arg0: i32) -> (i32, i32) {
    %c0_i32 = arith.constant 0 : i32
    %c0_i32_0 = arith.constant 0 : i32
    return %arg0, %c0_i32 : i32, i32
  }
}

module attributes {stable_mosaic.version = 14 : i64} {
  func.func @_dense_body(%arg0: i32, %arg1: memref<1000x144xf32, #tpu.memory_space<vmem>>, %arg2: memref<1000x144xf32, #tpu.memory_space<vmem>>, %arg3: memref<1000x144xf32, #tpu.memory_space<vmem>>, %arg4: memref<1000x144xf32, #tpu.memory_space<vmem>>, %arg5: memref<256x256xf32, #tpu.memory_space<vmem>>, %arg6: memref<256x256xf32, #tpu.memory_space<vmem>>, %arg7: memref<1x256xf32, #tpu.memory_space<vmem>>, %arg8: memref<256x128xf32, #tpu.memory_space<vmem>>, %arg9: memref<1x128xf32, #tpu.memory_space<vmem>>, %arg10: memref<128x32xf32, #tpu.memory_space<vmem>>, %arg11: memref<1x32xf32, #tpu.memory_space<vmem>>, %arg12: memref<32x10xf32, #tpu.memory_space<vmem>>, %arg13: memref<1x10xf32, #tpu.memory_space<vmem>>, %arg14: memref<256x256xf32, #tpu.memory_space<vmem>>, %arg15: memref<256x256xf32, #tpu.memory_space<vmem>>, %arg16: memref<1x256xf32, #tpu.memory_space<vmem>>, %arg17: memref<256x128xf32, #tpu.memory_space<vmem>>, %arg18: memref<1x128xf32, #tpu.memory_space<vmem>>, %arg19: memref<128x32xf32, #tpu.memory_space<vmem>>, %arg20: memref<1x32xf32, #tpu.memory_space<vmem>>, %arg21: memref<32x10xf32, #tpu.memory_space<vmem>>, %arg22: memref<1x10xf32, #tpu.memory_space<vmem>>, %arg23: memref<1000x10xf32, #tpu.memory_space<vmem>>, %arg24: memref<1x256xf32, #tpu.memory_space<vmem>>, %arg25: memref<1x10xf32, #tpu.memory_space<vmem>>) attributes {dimension_semantics = [#tpu.dimension_semantics<arbitrary>], iteration_bounds = array<i64: 10>, scalar_prefetch = 0 : i64, scratch_operands = 0 : i64, tpu.core_type = #tpu.core_type<tc>, window_params = [{transform_indices = @transform_0, window_bounds = array<i64: 1000, 144>}, {transform_indices = @transform_1, window_bounds = array<i64: 1000, 144>}, {transform_indices = @transform_2, window_bounds = array<i64: 1000, 144>}, {transform_indices = @transform_3, window_bounds = array<i64: 1000, 144>}, {pipeline_mode = #tpu.pipeline_mode<synchronous>, transform_indices = @transform_4, window_bounds = array<i64: 256, 256>}, {pipeline_mode = #tpu.pipeline_mode<synchronous>, transform_indices = @transform_5, window_bounds = array<i64: 256, 256>}, {pipeline_mode = #tpu.pipeline_mode<synchronous>, transform_indices = @transform_6, window_bounds = array<i64: 1, 256>}, {pipeline_mode = #tpu.pipeline_mode<synchronous>, transform_indices = @transform_7, window_bounds = array<i64: 256, 128>}, {pipeline_mode = #tpu.pipeline_mode<synchronous>, transform_indices = @transform_8, window_bounds = array<i64: 1, 128>}, {pipeline_mode = #tpu.pipeline_mode<synchronous>, transform_indices = @transform_9, window_bounds = array<i64: 128, 32>}, {pipeline_mode = #tpu.pipeline_mode<synchronous>, transform_indices = @transform_10, window_bounds = array<i64: 1, 32>}, {pipeline_mode = #tpu.pipeline_mode<synchronous>, transform_indices = @transform_11, window_bounds = array<i64: 32, 10>}, {pipeline_mode = #tpu.pipeline_mode<synchronous>, transform_indices = @transform_12, window_bounds = array<i64: 1, 10>}, {pipeline_mode = #tpu.pipeline_mode<synchronous>, transform_indices = @transform_13, window_bounds = array<i64: 256, 256>}, {pipeline_mode = #tpu.pipeline_mode<synchronous>, transform_indices = @transform_14, window_bounds = array<i64: 256, 256>}, {pipeline_mode = #tpu.pipeline_mode<synchronous>, transform_indices = @transform_15, window_bounds = array<i64: 1, 256>}, {pipeline_mode = #tpu.pipeline_mode<synchronous>, transform_indices = @transform_16, window_bounds = array<i64: 256, 128>}, {pipeline_mode = #tpu.pipeline_mode<synchronous>, transform_indices = @transform_17, window_bounds = array<i64: 1, 128>}, {pipeline_mode = #tpu.pipeline_mode<synchronous>, transform_indices = @transform_18, window_bounds = array<i64: 128, 32>}, {pipeline_mode = #tpu.pipeline_mode<synchronous>, transform_indices = @transform_19, window_bounds = array<i64: 1, 32>}, {pipeline_mode = #tpu.pipeline_mode<synchronous>, transform_indices = @transform_20, window_bounds = array<i64: 32, 10>}, {pipeline_mode = #tpu.pipeline_mode<synchronous>, transform_indices = @transform_21, window_bounds = array<i64: 1, 10>}, {transform_indices = @transform_22, window_bounds = array<i64: 1000, 10>}, {pipeline_mode = #tpu.pipeline_mode<synchronous>, transform_indices = @transform_23, window_bounds = array<i64: 1, 256>}, {pipeline_mode = #tpu.pipeline_mode<synchronous>, transform_indices = @transform_24, window_bounds = array<i64: 1, 10>}]} {
    %get3A = arith.constant 0 : index
    %get3A_0 = arith.constant 128 : index
    %get3A_1 = vector.load %arg3[%get3A, %get3A_0] : memref<1000x144xf32, #tpu.memory_space<vmem>>, vector<1000x1xf32>
    %max3A = arith.constant 1.000000e+00 : f32
    %max3A_2 = vector.broadcast %max3A : f32 to vector<1000x1xf32>
    %max3A_3 = arith.maximumf %get3A_1, %max3A_2 : vector<1000x1xf32>
    %div3A = arith.constant 1.000000e+00 : f32
    %div3A_4 = vector.broadcast %div3A : f32 to vector<1000x1xf32>
    %div3A_5 = arith.divf %div3A_4, %max3A_3 : vector<1000x1xf32>
    %get3A_6 = arith.constant 0 : index
    %get3A_7 = arith.constant 0 : index
    %get3A_8 = vector.load %arg3[%get3A_6, %get3A_7] : memref<1000x144xf32, #tpu.memory_space<vmem>>, vector<1000x128xf32>
    %get3A_9 = arith.constant 0 : index
    %get3A_10 = arith.constant 0 : index
    %get3A_11 = vector.load %arg4[%get3A_9, %get3A_10] : memref<1000x144xf32, #tpu.memory_space<vmem>>, vector<1000x128xf32>
    %concatenate3A = tpu.concatenate %get3A_8, %get3A_11 in 1 : vector<1000x128xf32>, vector<1000x128xf32> -> vector<1000x256xf32>
    %mul3A = vector.broadcast %div3A_5 : vector<1000x1xf32> to vector<1000x256xf32>
    %mul3A_12 = arith.mulf %concatenate3A, %mul3A : vector<1000x256xf32>
    %get3A_13 = arith.constant 0 : index
    %get3A_14 = arith.constant 0 : index
    %get3A_15 = vector.load %arg1[%get3A_13, %get3A_14] : memref<1000x144xf32, #tpu.memory_space<vmem>>, vector<1000x128xf32>
    %get3A_16 = arith.constant 0 : index
    %get3A_17 = arith.constant 0 : index
    %get3A_18 = vector.load %arg2[%get3A_16, %get3A_17] : memref<1000x144xf32, #tpu.memory_space<vmem>>, vector<1000x128xf32>
    %concatenate3A_19 = tpu.concatenate %get3A_15, %get3A_18 in 1 : vector<1000x128xf32>, vector<1000x128xf32> -> vector<1000x256xf32>
    %get3A_20 = arith.constant 0 : index
    %get3A_21 = arith.constant 0 : index
    %get3A_22 = vector.load %arg5[%get3A_20, %get3A_21] : memref<256x256xf32, #tpu.memory_space<vmem>>, vector<256x256xf32>
    %dot_general3A = arith.constant dense<0.000000e+00> : vector<1000x256xf32>
    %dot_general3A_23 = tpu.matmul %mul3A_12, %get3A_22, %dot_general3A {dimension_numbers = #tpu.dot_dimension_numbers<[1], [0], [0], [1], [0, 0, 1, 1], [], []>, transpose_lhs_hint = false} : vector<1000x256xf32>, vector<256x256xf32>, vector<1000x256xf32> -> vector<1000x256xf32>
    %get3A_24 = arith.constant 0 : index
    %get3A_25 = arith.constant 0 : index
    %get3A_26 = vector.load %arg6[%get3A_24, %get3A_25] : memref<256x256xf32, #tpu.memory_space<vmem>>, vector<256x256xf32>
    %dot_general3A_27 = arith.constant dense<0.000000e+00> : vector<1000x256xf32>
    %dot_general3A_28 = tpu.matmul %concatenate3A_19, %get3A_26, %dot_general3A_27 {dimension_numbers = #tpu.dot_dimension_numbers<[1], [0], [0], [1], [0, 0, 1, 1], [], []>, transpose_lhs_hint = false} : vector<1000x256xf32>, vector<256x256xf32>, vector<1000x256xf32> -> vector<1000x256xf32>
    %add3A = arith.addf %dot_general3A_23, %dot_general3A_28 : vector<1000x256xf32>
    %get3A_29 = arith.constant 0 : index
    %get3A_30 = arith.constant 0 : index
    %get3A_31 = vector.load %arg7[%get3A_29, %get3A_30] : memref<1x256xf32, #tpu.memory_space<vmem>>, vector<1x256xf32>
    %add3A_32 = vector.broadcast %get3A_31 : vector<1x256xf32> to vector<1000x256xf32>
    %add3A_33 = arith.addf %add3A, %add3A_32 : vector<1000x256xf32>
    %max3A_34 = arith.constant 0.000000e+00 : f32
    %max3A_35 = vector.broadcast %max3A_34 : f32 to vector<1000x256xf32>
    %max3A_36 = arith.maximumf %add3A_33, %max3A_35 : vector<1000x256xf32>
    %add3A_37 = arith.addf %max3A_36, %concatenate3A_19 : vector<1000x256xf32>
    %get3A_38 = arith.constant 0 : index
    %get3A_39 = arith.constant 0 : index
    %get3A_40 = vector.load %arg8[%get3A_38, %get3A_39] : memref<256x128xf32, #tpu.memory_space<vmem>>, vector<256x128xf32>
    %dot_general3A_41 = arith.constant dense<0.000000e+00> : vector<1000x128xf32>
    %dot_general3A_42 = tpu.matmul %add3A_37, %get3A_40, %dot_general3A_41 {dimension_numbers = #tpu.dot_dimension_numbers<[1], [0], [0], [1], [0, 0, 1, 1], [], []>, transpose_lhs_hint = false} : vector<1000x256xf32>, vector<256x128xf32>, vector<1000x128xf32> -> vector<1000x128xf32>
    %get3A_43 = arith.constant 0 : index
    %get3A_44 = arith.constant 0 : index
    %get3A_45 = vector.load %arg9[%get3A_43, %get3A_44] : memref<1x128xf32, #tpu.memory_space<vmem>>, vector<1x128xf32>
    %add3A_46 = vector.broadcast %get3A_45 : vector<1x128xf32> to vector<1000x128xf32>
    %add3A_47 = arith.addf %dot_general3A_42, %add3A_46 : vector<1000x128xf32>
    %max3A_48 = arith.constant 0.000000e+00 : f32
    %max3A_49 = vector.broadcast %max3A_48 : f32 to vector<1000x128xf32>
    %max3A_50 = arith.maximumf %add3A_47, %max3A_49 : vector<1000x128xf32>
    %get3A_51 = arith.constant 0 : index
    %get3A_52 = arith.constant 0 : index
    %get3A_53 = vector.load %arg10[%get3A_51, %get3A_52] : memref<128x32xf32, #tpu.memory_space<vmem>>, vector<128x32xf32>
    %dot_general3A_54 = arith.constant dense<0.000000e+00> : vector<1000x32xf32>
    %dot_general3A_55 = tpu.matmul %max3A_50, %get3A_53, %dot_general3A_54 {dimension_numbers = #tpu.dot_dimension_numbers<[1], [0], [0], [1], [0, 0, 1, 1], [], []>, transpose_lhs_hint = false} : vector<1000x128xf32>, vector<128x32xf32>, vector<1000x32xf32> -> vector<1000x32xf32>
    %get3A_56 = arith.constant 0 : index
    %get3A_57 = arith.constant 0 : index
    %get3A_58 = vector.load %arg11[%get3A_56, %get3A_57] : memref<1x32xf32, #tpu.memory_space<vmem>>, vector<1x32xf32>
    %add3A_59 = vector.broadcast %get3A_58 : vector<1x32xf32> to vector<1000x32xf32>
    %add3A_60 = arith.addf %dot_general3A_55, %add3A_59 : vector<1000x32xf32>
    %max3A_61 = arith.constant 0.000000e+00 : f32
    %max3A_62 = vector.broadcast %max3A_61 : f32 to vector<1000x32xf32>
    %max3A_63 = arith.maximumf %add3A_60, %max3A_62 : vector<1000x32xf32>
    %get3A_64 = arith.constant 0 : index
    %get3A_65 = arith.constant 0 : index
    %get3A_66 = vector.load %arg12[%get3A_64, %get3A_65] : memref<32x10xf32, #tpu.memory_space<vmem>>, vector<32x10xf32>
    %dot_general3A_67 = arith.constant dense<0.000000e+00> : vector<1000x10xf32>
    %dot_general3A_68 = tpu.matmul %max3A_63, %get3A_66, %dot_general3A_67 {dimension_numbers = #tpu.dot_dimension_numbers<[1], [0], [0], [1], [0, 0, 1, 1], [], []>, transpose_lhs_hint = false} : vector<1000x32xf32>, vector<32x10xf32>, vector<1000x10xf32> -> vector<1000x10xf32>
    %get3A_69 = arith.constant 0 : index
    %get3A_70 = arith.constant 0 : index
    %get3A_71 = vector.load %arg13[%get3A_69, %get3A_70] : memref<1x10xf32, #tpu.memory_space<vmem>>, vector<1x10xf32>
    %add3A_72 = vector.broadcast %get3A_71 : vector<1x10xf32> to vector<1000x10xf32>
    %add3A_73 = arith.addf %dot_general3A_68, %add3A_72 : vector<1000x10xf32>
    %max3A_74 = arith.constant 0.000000e+00 : f32
    %max3A_75 = vector.broadcast %max3A_74 : f32 to vector<1000x10xf32>
    %max3A_76 = arith.maximumf %add3A_73, %max3A_75 : vector<1000x10xf32>
    %abs3A = math.absf %add3A_73 : vector<1000x10xf32>
    %neg3A = arith.constant 0.000000e+00 : f32
    %neg3A_77 = vector.broadcast %neg3A : f32 to vector<1000x10xf32>
    %neg3A_78 = arith.subf %neg3A_77, %abs3A : vector<1000x10xf32>
    %exp3A = math.exp %neg3A_78 : vector<1000x10xf32>
    %add3A_79 = arith.constant 1.000000e+00 : f32
    %add3A_80 = vector.broadcast %add3A_79 : f32 to vector<1000x10xf32>
    %add3A_81 = arith.addf %add3A_80, %exp3A : vector<1000x10xf32>
    %log3A = math.log %add3A_81 : vector<1000x10xf32>
    %add3A_82 = arith.addf %max3A_76, %log3A : vector<1000x10xf32>
    %add3A_83 = arith.constant 1.000000e-03 : f32
    %add3A_84 = vector.broadcast %add3A_83 : f32 to vector<1000x10xf32>
    %add3A_85 = arith.addf %add3A_82, %add3A_84 : vector<1000x10xf32>
    %swap3A = arith.constant 0 : index
    %swap3A_86 = arith.constant 0 : index
    %swap3A_87 = vector.load %arg23[%swap3A, %swap3A_86] : memref<1000x10xf32, #tpu.memory_space<vmem>>, vector<1000x10xf32>
    tpu.vector_store %arg23[%swap3A, %swap3A_86], %add3A_85 {strides = array<i32>} : memref<1000x10xf32, #tpu.memory_space<vmem>>, vector<1000x10xf32>,
    %get3A_88 = arith.constant 0 : index
    %get3A_89 = arith.constant 0 : index
    %get3A_90 = vector.load %arg14[%get3A_88, %get3A_89] : memref<256x256xf32, #tpu.memory_space<vmem>>, vector<256x256xf32>
    %dot_general3A_91 = arith.constant dense<0.000000e+00> : vector<1000x256xf32>
    %dot_general3A_92 = tpu.matmul %mul3A_12, %get3A_90, %dot_general3A_91 {dimension_numbers = #tpu.dot_dimension_numbers<[1], [0], [0], [1], [0, 0, 1, 1], [], []>, transpose_lhs_hint = false} : vector<1000x256xf32>, vector<256x256xf32>, vector<1000x256xf32> -> vector<1000x256xf32>
    %get3A_93 = arith.constant 0 : index
    %get3A_94 = arith.constant 0 : index
    %get3A_95 = vector.load %arg15[%get3A_93, %get3A_94] : memref<256x256xf32, #tpu.memory_space<vmem>>, vector<256x256xf32>
    %dot_general3A_96 = arith.constant dense<0.000000e+00> : vector<1000x256xf32>
    %dot_general3A_97 = tpu.matmul %concatenate3A_19, %get3A_95, %dot_general3A_96 {dimension_numbers = #tpu.dot_dimension_numbers<[1], [0], [0], [1], [0, 0, 1, 1], [], []>, transpose_lhs_hint = false} : vector<1000x256xf32>, vector<256x256xf32>, vector<1000x256xf32> -> vector<1000x256xf32>
    %add3A_98 = arith.addf %dot_general3A_92, %dot_general3A_97 : vector<1000x256xf32>
    %get3A_99 = arith.constant 0 : index
    %get3A_100 = arith.constant 0 : index
    %get3A_101 = vector.load %arg16[%get3A_99, %get3A_100] : memref<1x256xf32, #tpu.memory_space<vmem>>, vector<1x256xf32>
    %add3A_102 = vector.broadcast %get3A_101 : vector<1x256xf32> to vector<1000x256xf32>
    %add3A_103 = arith.addf %add3A_98, %add3A_102 : vector<1000x256xf32>
    %max3A_104 = arith.constant 0.000000e+00 : f32
    %max3A_105 = vector.broadcast %max3A_104 : f32 to vector<1000x256xf32>
    %max3A_106 = arith.maximumf %add3A_103, %max3A_105 : vector<1000x256xf32>
    %add3A_107 = arith.addf %max3A_106, %concatenate3A_19 : vector<1000x256xf32>
    %reduce_sum3A = arith.constant dense<0.000000e+00> : vector<256xf32>
    %reduce_sum3A_108 = vector.multi_reduction <add>, %add3A_107, %reduce_sum3A [0] : vector<1000x256xf32> to vector<256xf32>
    %broadcast_in_dim3A = vector.shape_cast %reduce_sum3A_108 : vector<256xf32> to vector<1x256xf32>
    %eq3A = arith.constant 0 : i32
    %eq3A_109 = arith.cmpi eq, %arg0, %eq3A : i32
    %convert_element_type3A = arith.extui %eq3A_109 : i1 to i32
    %cond3A = arith.constant 0 : i32
    %cond3A_110 = arith.cmpi ne, %convert_element_type3A, %cond3A : i32
    scf.if %cond3A_110 {
      %swap3A_120 = arith.constant 0 : index
      %swap3A_121 = arith.constant 0 : index
      %swap3A_122 = vector.load %arg24[%swap3A_120, %swap3A_121] : memref<1x256xf32, #tpu.memory_space<vmem>>, vector<1x256xf32>
      tpu.vector_store %arg24[%swap3A_120, %swap3A_121], %broadcast_in_dim3A {strides = array<i32>} : memref<1x256xf32, #tpu.memory_space<vmem>>, vector<1x256xf32>,
    } else {
    }
    %gt3A = arith.constant 0 : i32
    %gt3A_111 = arith.cmpi sgt, %arg0, %gt3A : i32
    %convert_element_type3A_112 = arith.extui %gt3A_111 : i1 to i32
    %cond3A_113 = arith.constant 0 : i32
    %cond3A_114 = arith.cmpi ne, %convert_element_type3A_112, %cond3A_113 : i32
    scf.if %cond3A_114 {
      %get3A_120 = arith.constant 0 : index
      %get3A_121 = arith.constant 0 : index
      %get3A_122 = vector.load %arg24[%get3A_120, %get3A_121] : memref<1x256xf32, #tpu.memory_space<vmem>>, vector<1x256xf32>
      %add3A_123 = arith.addf %get3A_122, %broadcast_in_dim3A : vector<1x256xf32>
      %swap3A_124 = arith.constant 0 : index
      %swap3A_125 = arith.constant 0 : index
      %swap3A_126 = vector.load %arg24[%swap3A_124, %swap3A_125] : memref<1x256xf32, #tpu.memory_space<vmem>>, vector<1x256xf32>
      tpu.vector_store %arg24[%swap3A_124, %swap3A_125], %add3A_123 {strides = array<i32>} : memref<1x256xf32, #tpu.memory_space<vmem>>, vector<1x256xf32>,
    } else {
    }
    %eq3A_115 = arith.constant 9 : i32
    %eq3A_116 = arith.cmpi eq, %arg0, %eq3A_115 : i32
    %convert_element_type3A_117 = arith.extui %eq3A_116 : i1 to i32
    %cond3A_118 = arith.constant 0 : i32
    %cond3A_119 = arith.cmpi ne, %convert_element_type3A_117, %cond3A_118 : i32
    scf.if %cond3A_119 {
      %get3A_120 = arith.constant 0 : index
      %get3A_121 = arith.constant 0 : index
      %get3A_122 = vector.load %arg24[%get3A_120, %get3A_121] : memref<1x256xf32, #tpu.memory_space<vmem>>, vector<1x256xf32>
      %get3A_123 = arith.constant 0 : index
      %get3A_124 = arith.constant 0 : index
      %get3A_125 = vector.load %arg17[%get3A_123, %get3A_124] : memref<256x128xf32, #tpu.memory_space<vmem>>, vector<256x128xf32>
      %dot_general3A_126 = arith.constant dense<0.000000e+00> : vector<1x128xf32>
      %dot_general3A_127 = tpu.matmul %get3A_122, %get3A_125, %dot_general3A_126 {dimension_numbers = #tpu.dot_dimension_numbers<[1], [0], [0], [1], [0, 0, 1, 1], [], []>, transpose_lhs_hint = false} : vector<1x256xf32>, vector<256x128xf32>, vector<1x128xf32> -> vector<1x128xf32>
      %get3A_128 = arith.constant 0 : index
      %get3A_129 = arith.constant 0 : index
      %get3A_130 = vector.load %arg18[%get3A_128, %get3A_129] : memref<1x128xf32, #tpu.memory_space<vmem>>, vector<1x128xf32>
      %add3A_131 = arith.addf %dot_general3A_127, %get3A_130 : vector<1x128xf32>
      %max3A_132 = arith.constant 0.000000e+00 : f32
      %max3A_133 = vector.broadcast %max3A_132 : f32 to vector<1x128xf32>
      %max3A_134 = arith.maximumf %add3A_131, %max3A_133 : vector<1x128xf32>
      %get3A_135 = arith.constant 0 : index
      %get3A_136 = arith.constant 0 : index
      %get3A_137 = vector.load %arg19[%get3A_135, %get3A_136] : memref<128x32xf32, #tpu.memory_space<vmem>>, vector<128x32xf32>
      %dot_general3A_138 = arith.constant dense<0.000000e+00> : vector<1x32xf32>
      %dot_general3A_139 = tpu.matmul %max3A_134, %get3A_137, %dot_general3A_138 {dimension_numbers = #tpu.dot_dimension_numbers<[1], [0], [0], [1], [0, 0, 1, 1], [], []>, transpose_lhs_hint = false} : vector<1x128xf32>, vector<128x32xf32>, vector<1x32xf32> -> vector<1x32xf32>
      %get3A_140 = arith.constant 0 : index
      %get3A_141 = arith.constant 0 : index
      %get3A_142 = vector.load %arg20[%get3A_140, %get3A_141] : memref<1x32xf32, #tpu.memory_space<vmem>>, vector<1x32xf32>
      %add3A_143 = arith.addf %dot_general3A_139, %get3A_142 : vector<1x32xf32>
      %max3A_144 = arith.constant 0.000000e+00 : f32
      %max3A_145 = vector.broadcast %max3A_144 : f32 to vector<1x32xf32>
      %max3A_146 = arith.maximumf %add3A_143, %max3A_145 : vector<1x32xf32>
      %get3A_147 = arith.constant 0 : index
      %get3A_148 = arith.constant 0 : index
      %get3A_149 = vector.load %arg21[%get3A_147, %get3A_148] : memref<32x10xf32, #tpu.memory_space<vmem>>, vector<32x10xf32>
      %dot_general3A_150 = arith.constant dense<0.000000e+00> : vector<1x10xf32>
      %dot_general3A_151 = tpu.matmul %max3A_146, %get3A_149, %dot_general3A_150 {dimension_numbers = #tpu.dot_dimension_numbers<[1], [0], [0], [1], [0, 0, 1, 1], [], []>, transpose_lhs_hint = false} : vector<1x32xf32>, vector<32x10xf32>, vector<1x10xf32> -> vector<1x10xf32>
      %get3A_152 = arith.constant 0 : index
      %get3A_153 = arith.constant 0 : index
      %get3A_154 = vector.load %arg22[%get3A_152, %get3A_153] : memref<1x10xf32, #tpu.memory_space<vmem>>, vector<1x10xf32>
      %add3A_155 = arith.addf %dot_general3A_151, %get3A_154 : vector<1x10xf32>
      %swap3A_156 = arith.constant 0 : index
      %swap3A_157 = arith.constant 0 : index
      %swap3A_158 = vector.load %arg25[%swap3A_156, %swap3A_157] : memref<1x10xf32, #tpu.memory_space<vmem>>, vector<1x10xf32>
      tpu.vector_store %arg25[%swap3A_156, %swap3A_157], %add3A_155 {strides = array<i32>} : memref<1x10xf32, #tpu.memory_space<vmem>>, vector<1x10xf32>,
    } else {
    }
    return
  }
  func.func @transform_0(%arg0: i32) -> (i32, i32) {
    %c0_i32 = arith.constant 0 : i32
    %c0_i32_0 = arith.constant 0 : i32
    return %arg0, %c0_i32 : i32, i32
  }
  func.func @transform_1(%arg0: i32) -> (i32, i32) {
    %c0_i32 = arith.constant 0 : i32
    %c0_i32_0 = arith.constant 0 : i32
    return %arg0, %c0_i32 : i32, i32
  }
  func.func @transform_2(%arg0: i32) -> (i32, i32) {
    %c0_i32 = arith.constant 0 : i32
    %c0_i32_0 = arith.constant 0 : i32
    return %arg0, %c0_i32 : i32, i32
  }
  func.func @transform_3(%arg0: i32) -> (i32, i32) {
    %c0_i32 = arith.constant 0 : i32
    %c0_i32_0 = arith.constant 0 : i32
    return %arg0, %c0_i32 : i32, i32
  }
  func.func @transform_4(%arg0: i32) -> (i32, i32) {
    %c0_i32 = arith.constant 0 : i32
    %c0_i32_0 = arith.constant 0 : i32
    %c0_i32_1 = arith.constant 0 : i32
    return %c0_i32, %c0_i32_0 : i32, i32
  }
  func.func @transform_5(%arg0: i32) -> (i32, i32) {
    %c0_i32 = arith.constant 0 : i32
    %c0_i32_0 = arith.constant 0 : i32
    %c0_i32_1 = arith.constant 0 : i32
    return %c0_i32, %c0_i32_0 : i32, i32
  }
  func.func @transform_6(%arg0: i32) -> (i32, i32) {
    %c0_i32 = arith.constant 0 : i32
    %c0_i32_0 = arith.constant 0 : i32
    %c0_i32_1 = arith.constant 0 : i32
    return %c0_i32, %c0_i32_0 : i32, i32
  }
  func.func @transform_7(%arg0: i32) -> (i32, i32) {
    %c0_i32 = arith.constant 0 : i32
    %c0_i32_0 = arith.constant 0 : i32
    %c0_i32_1 = arith.constant 0 : i32
    return %c0_i32, %c0_i32_0 : i32, i32
  }
  func.func @transform_8(%arg0: i32) -> (i32, i32) {
    %c0_i32 = arith.constant 0 : i32
    %c0_i32_0 = arith.constant 0 : i32
    %c0_i32_1 = arith.constant 0 : i32
    return %c0_i32, %c0_i32_0 : i32, i32
  }
  func.func @transform_9(%arg0: i32) -> (i32, i32) {
    %c0_i32 = arith.constant 0 : i32
    %c0_i32_0 = arith.constant 0 : i32
    %c0_i32_1 = arith.constant 0 : i32
    return %c0_i32, %c0_i32_0 : i32, i32
  }
  func.func @transform_10(%arg0: i32) -> (i32, i32) {
    %c0_i32 = arith.constant 0 : i32
    %c0_i32_0 = arith.constant 0 : i32
    %c0_i32_1 = arith.constant 0 : i32
    return %c0_i32, %c0_i32_0 : i32, i32
  }
  func.func @transform_11(%arg0: i32) -> (i32, i32) {
    %c0_i32 = arith.constant 0 : i32
    %c0_i32_0 = arith.constant 0 : i32
    %c0_i32_1 = arith.constant 0 : i32
    return %c0_i32, %c0_i32_0 : i32, i32
  }
  func.func @transform_12(%arg0: i32) -> (i32, i32) {
    %c0_i32 = arith.constant 0 : i32
    %c0_i32_0 = arith.constant 0 : i32
    %c0_i32_1 = arith.constant 0 : i32
    return %c0_i32, %c0_i32_0 : i32, i32
  }
  func.func @transform_13(%arg0: i32) -> (i32, i32) {
    %c0_i32 = arith.constant 0 : i32
    %c0_i32_0 = arith.constant 0 : i32
    %c0_i32_1 = arith.constant 0 : i32
    return %c0_i32, %c0_i32_0 : i32, i32
  }
  func.func @transform_14(%arg0: i32) -> (i32, i32) {
    %c0_i32 = arith.constant 0 : i32
    %c0_i32_0 = arith.constant 0 : i32
    %c0_i32_1 = arith.constant 0 : i32
    return %c0_i32, %c0_i32_0 : i32, i32
  }
  func.func @transform_15(%arg0: i32) -> (i32, i32) {
    %c0_i32 = arith.constant 0 : i32
    %c0_i32_0 = arith.constant 0 : i32
    %c0_i32_1 = arith.constant 0 : i32
    return %c0_i32, %c0_i32_0 : i32, i32
  }
  func.func @transform_16(%arg0: i32) -> (i32, i32) {
    %c0_i32 = arith.constant 0 : i32
    %c0_i32_0 = arith.constant 0 : i32
    %c0_i32_1 = arith.constant 0 : i32
    return %c0_i32, %c0_i32_0 : i32, i32
  }
  func.func @transform_17(%arg0: i32) -> (i32, i32) {
    %c0_i32 = arith.constant 0 : i32
    %c0_i32_0 = arith.constant 0 : i32
    %c0_i32_1 = arith.constant 0 : i32
    return %c0_i32, %c0_i32_0 : i32, i32
  }
  func.func @transform_18(%arg0: i32) -> (i32, i32) {
    %c0_i32 = arith.constant 0 : i32
    %c0_i32_0 = arith.constant 0 : i32
    %c0_i32_1 = arith.constant 0 : i32
    return %c0_i32, %c0_i32_0 : i32, i32
  }
  func.func @transform_19(%arg0: i32) -> (i32, i32) {
    %c0_i32 = arith.constant 0 : i32
    %c0_i32_0 = arith.constant 0 : i32
    %c0_i32_1 = arith.constant 0 : i32
    return %c0_i32, %c0_i32_0 : i32, i32
  }
  func.func @transform_20(%arg0: i32) -> (i32, i32) {
    %c0_i32 = arith.constant 0 : i32
    %c0_i32_0 = arith.constant 0 : i32
    %c0_i32_1 = arith.constant 0 : i32
    return %c0_i32, %c0_i32_0 : i32, i32
  }
  func.func @transform_21(%arg0: i32) -> (i32, i32) {
    %c0_i32 = arith.constant 0 : i32
    %c0_i32_0 = arith.constant 0 : i32
    %c0_i32_1 = arith.constant 0 : i32
    return %c0_i32, %c0_i32_0 : i32, i32
  }
  func.func @transform_22(%arg0: i32) -> (i32, i32) {
    %c0_i32 = arith.constant 0 : i32
    %c0_i32_0 = arith.constant 0 : i32
    return %arg0, %c0_i32 : i32, i32
  }
  func.func @transform_23(%arg0: i32) -> (i32, i32) {
    %c0_i32 = arith.constant 0 : i32
    %c0_i32_0 = arith.constant 0 : i32
    %c0_i32_1 = arith.constant 0 : i32
    return %c0_i32, %c0_i32_0 : i32, i32
  }
  func.func @transform_24(%arg0: i32) -> (i32, i32) {
    %c0_i32 = arith.constant 0 : i32
    %c0_i32_0 = arith.constant 0 : i32
    %c0_i32_1 = arith.constant 0 : i32
    return %c0_i32, %c0_i32_0 : i32, i32
  }
}

</mosaic_0001>

<sc_bundles>
// kernel: kernel.6.cloned.1.call-start
scs
__scs_entry_jumppad:
0x0: {  	(pc) =	sbr.rel $0x88, $3  }
0x1: {  	(tag) =	ssettag $0x0;
	lr =	simm.s32 $0x1  }
0x2: {  	[smem:$0x3F8D] =	sst lr;
	_ =	strace $0xD0000000  }
0x3: {  	_ = 	snop  }
0x4: {  	_ = 	snop  }
0x5: {  	_ = 	snop  }
0x6: {  	_ = 	snop  }
0x7: {  	_ = 	snop  }
__scs_overlays_trampoline_lowered:
0x8: {  	[smem:$0x3F9C] =	sst s0  }
0x9: {  	[smem:$0x3F9D] =	sst s1  }
0xa: {  	[smem:$0x3F9E] =	sst s2  }
0xb: {  	[smem:$0x3F9F] =	sst s3  }
0xc: {  	[smem:$0x3FA0] =	sst s4  }
0xd: {  	[smem:$0x3FA1] =	sst s5  }
0xe: {  	[smem:$0x3FA2] =	sst s6  }
0xf: {  	[smem:$0x3FA3] =	sst s7  }
0x10: {  	[smem:$0x3FA4] =	sst s8  }
0x11: {  	[smem:$0x3FA5] =	sst s9;
	s0 =	simm.s32 @!p0 $0x0  }
0x12: {  	s1 =	sld [smem:$0x3F8B];
	s0 =	simm.s32 @p0 $0x1  }
0x13: {  	[smem:$0x3FA6] =	sst s0;
	s0 =	simm.s32 @!p1 $0x0  }
0x14: {  	s2 =	sld [smem:$0x3F8A];
	s0 =	simm.s32 @p1 $0x1  }
0x15: {  	[smem:$0x3FA7] =	sst s0;
	s0 =	simm.s32 @!p2 $0x0  }
0x16: {  	s3 =	sld [smem:$0x3FDB];
	s0 =	simm.s32 @p2 $0x1  }
0x17: {  	s4 =	simm.s32 $0x1BF5;
	[smem:$0x3FA9] =	sst s0  }
0x18: {  	s0 =	sld [smem:$0x3F8C];
	_ =	swait.ge [sflag:s4], $0x0  }
0x19: {  	s7 =	sld [smem:$0x3F8D]  }
0x1a: {  	s8 =	sadd.s32 $0xFFFFE003, lr  }
0x1b: {  	s9 =	sadd.s32 $0xFFFFFEF7, lr;
	s5 =	simm.s32 $0xFFFFFFFF;
	p2 =	slt.u32 s8, $0xFFFFF086  }
0x1c: {  	p1 =	slt.u32 s9, $0xF7A;
	s5 =	simm.s32 @!p2 $0x0  }
0x1d: {  	s5 =	simm.s32 @p1 $0x1;
	p0 =	seq.s32 s7, s2  }
0x1e: {  	s7 =	smul.u32 @!p0 $0xF7A, s2;
	p2 =	seq.s32 @!p0 s5, $0x0  }
0x1f: {  	s9 =	smul.u32 $0xF7A, s1;
	s8 =	simm.s32 @!p0 $0x1BF5;
	p2 =	por !p2, p0  }
0x20: {  	[sflag:s8] =	ssyncset.s32 @!p0 $0xFFFFF086;
	s6 =	sadd.s32 @!p0 s3, s7;
	s7 =	simm.s32 @!p0 $0x108  }
0x21: {  	s3 =	sadd.s32 s3, s9;
	s6 =	sadd.s32 @!p0 $0x88, s6;
	s7 =	simm.s32 @p2 $0x1082  }
0x22: {  	[simem:s7], [sflag:s8] =	dma.local @!p0 [hbm:s6], $0xF7A  }
0x23: {  	s9 =	sor.u32 $0xD0000000, s2;
	s6 =	simm.s32 $0x108;
	_ =	swait.ge @!p0 [sflag:s8], $0x0  }
0x24: {  	s3 =	sadd.s32 $0x88, s3;
	s6 =	simm.s32 @!p1 $0x1082;
	[sflag:s4] =	ssyncset.s32 $0xFFFFF086  }
0x25: {  	[simem:s6], [sflag:s4] =	dma.local [hbm:s3], $0xF7A  }
0x26: {  	[smem:$0x3F8D] =	sst s1;
	(tag) =	ssettag s2;
	_ =	strace s9  }
0x27: {  	s1 =	sld [smem:$0x3F9D]  }
0x28: {  	s2 =	sld [smem:$0x3F9E]  }
0x29: {  	s4 =	sld [smem:$0x3FA0]  }
0x2a: {  	p0 =	seq.s32 s5, $0x0;
	s5 =	sld [smem:$0x3FA1]  }
0x2b: {  	s6 =	sld [smem:$0x3FA2]  }
0x2c: {  	s7 =	sld [smem:$0x3FA3]  }
0x2d: {  	s3 =	simm.s32 $0x108;
	s8 =	sld [smem:$0x3FA4]  }
0x2e: {  	s3 =	simm.s32 @!p0 $0x1082;
	s9 =	sld [smem:$0x3FA5]  }
0x2f: {  	lr =	sadd.s32 s0, s3;
	s0 =	sld [smem:$0x3F9C]  }
0x30: {  	s3 =	sld [smem:$0x3F9F]  }
0x31: {  	[smem:$0x3FA8] =	sst s10  }
0x32: {  	s10 =	sld [smem:$0x3FA6];
	_ =	sdelay $0x3  }
0x33: {  	p0 =	seq.s32 s10, $0x1;
	s10 =	sld [smem:$0x3FA8];
	_ =	sdelay $0x3  }
0x34: {  	[smem:$0x3FA8] =	sst s10  }
0x35: {  	s10 =	sld [smem:$0x3FA7];
	_ =	sdelay $0x3  }
0x36: {  	p1 =	seq.s32 s10, $0x1;
	s10 =	sld [smem:$0x3FA8];
	_ =	sdelay $0x3  }
0x37: {  	[smem:$0x3FA8] =	sst s10  }
0x38: {  	s10 =	sld [smem:$0x3FA9]  }
0x39: {  	_ = 	snop;
	(pc) =	sbr.ind lr, $3  }
0x3a: {  	_ = 	snop  }
0x3b: {  	_ = 	snop  }
0x3c: {  	p2 =	seq.s32 s10, $0x1;
	s10 =	sld [smem:$0x3FA8]  }
0x3d: {  	_ =	shalt  }
0x3e: {  	_ =	shalt  }
0x3f: {  	_ =	shalt  }
0x40: {  	_ =	shalt  }
0x41: {  	_ =	shalt  }
0x42: {  	_ =	shalt  }
0x43: {  	_ =	shalt  }
0x44: {  	_ =	shalt  }
0x45: {  	_ =	shalt  }
0x46: {  	_ =	shalt  }
0x47: {  	_ =	shalt  }
0x48: {  	_ =	shalt  }
0x49: {  	_ =	shalt  }
0x4a: {  	_ =	shalt  }
0x4b: {  	_ =	shalt  }
0x4c: {  	_ =	shalt  }
0x4d: {  	_ =	shalt  }
0x4e: {  	_ =	shalt  }
0x4f: {  	_ =	shalt  }
0x50: {  	_ =	shalt  }
0x51: {  	_ =	shalt  }
0x52: {  	_ =	shalt  }
0x53: {  	_ =	shalt  }
0x54: {  	_ =	shalt  }
0x55: {  	_ =	shalt  }
0x56: {  	_ =	shalt  }
0x57: {  	_ =	shalt  }
0x58: {  	_ =	shalt  }
0x59: {  	_ =	shalt  }
0x5a: {  	_ =	shalt  }
0x5b: {  	_ =	shalt  }
0x5c: {  	_ =	shalt  }
0x5d: {  	_ =	shalt  }
0x5e: {  	_ =	shalt  }
0x5f: {  	_ =	shalt  }
0x60: {  	_ =	shalt  }
0x61: {  	_ =	shalt  }
0x62: {  	_ =	shalt  }
0x63: {  	_ =	shalt  }
0x64: {  	_ =	shalt  }
0x65: {  	_ =	shalt  }
0x66: {  	_ =	shalt  }
0x67: {  	_ =	shalt  }
0x68: {  	_ =	shalt  }
0x69: {  	_ =	shalt  }
0x6a: {  	_ =	shalt  }
0x6b: {  	_ =	shalt  }
0x6c: {  	_ =	shalt  }
0x6d: {  	_ =	shalt  }
0x6e: {  	_ =	shalt  }
0x6f: {  	_ =	shalt  }
0x70: {  	_ =	shalt  }
0x71: {  	_ =	shalt  }
0x72: {  	_ =	shalt  }
0x73: {  	_ =	shalt  }
0x74: {  	_ =	shalt  }
0x75: {  	_ =	shalt  }
0x76: {  	_ =	shalt  }
0x77: {  	_ =	shalt  }
0x78: {  	_ =	shalt  }
0x79: {  	_ =	shalt  }
0x7a: {  	_ =	shalt  }
0x7b: {  	_ =	shalt  }
0x7c: {  	_ =	shalt  }
0x7d: {  	_ =	shalt  }
0x7e: {  	_ =	shalt  }
0x7f: {  	_ =	shalt  }
0x80: {  	_ =	shalt  }
0x81: {  	_ =	shalt  }
0x82: {  	_ =	shalt  }
0x83: {  	_ =	shalt  }
0x84: {  	_ =	shalt  }
0x85: {  	_ =	shalt  }
0x86: {  	_ =	shalt  }
0x87: {  	_ =	shalt  }
.Lfunc_end0:
.L_simem_size_0:
called_computation_lowered:
.L_overlay_start_0:
0x88: {  	s2 =	sld [smem:$0x3FD9]  }
0x89: {  	s3 =	sld [smem:$0x3FFE];
	_ =	sdelay $0x1  }
0x8a: {  	s1 =	srdreg.scid  }
0x8b: {  	s0 =	sand.u32 $0x1, s1  }
0x8c: {  	s14 =	sshll.u32 s0, $0xA;
	s2 =	sadd.s32 s3, s2  }
0x8d: {  	s2 =	sadd.s32 s2, s14  }
0x8e: {  	[smem:$0x3FB4] =	sst s2  }
0x8f: {  	_ = 	snop  }
0x90: {  	s2 =	sld [smem:$0x3FD0];
	_ =	sdelay $0x2  }
0x91: {  	s15 =	simm.s32 $0xA;
	s4 =	simm.s32 $0x10  }
0x92: {  	[smem:s4], [sflag:s15] =	dma.local [hbm:s2], $0x1  }
0x93: {  	_ =	swait.eq [sflag:s15], $0x1  }
0x94: {  	[sflag:s15] =	ssyncset.done $0x0  }
0x95: {  	[sflag:s15] =	ssyncadd.s32 $0xFFFFFFFF  }
0x96: {  	s16 =	sld [smem:$0x10];
	(tm) =	ssettm $0x1  }
0x97: {  	s17 =	sld [smem:$0x3FFB];
	_ =	sdelay $0x3  }
0x98: {  	_ =	strace s17  }
0x99: {  	s3 =	sld [smem:$0x3FFC];
	_ =	sdelay $0x3  }
0x9a: {  	_ =	strace s3  }
0x9b: {  	s3 =	sld [smem:$0x3FFD];
	_ =	sdelay $0x3  }
0x9c: {  	_ =	strace s3  }
0x9d: {  	_ =	strace $0x8FFFFFFF  }
0x9e: {  	s18 =	sld [smem:$0x3FDB];
	_ =	sdelay $0x1  }
0x9f: {  	s19 =	simm.s32 $_scs_section_size  }
0xa0: {  	s5 =	simm.s32 $_size__tile_overlayer_lowered;
	s6 =	simm.s32 $_tile_overlayer_lowered  }
0xa1: {  	s22 =	simm.s32 $0x1BFF;
	s21 =	sshll.u32 s6, $0x1;
	s3 =	sadd.s32 s19, s18  }
0xa2: {  	s7 =	simm.s32 $0x0;
	s20 =	sshll.u32 s5, $0x1;
	s5 =	sadd.s32 s21, s3  }
0xa3: {  	[timem:s7], [sflag:s22] =	dma.local [hbm:s5], s20  }
0xa4: {  	_ =	swait.ge [sflag:s22], s20  }
0xa5: {  	s4 =	ssub.s32 $0x0, s20;
	[sflag:s22] =	ssyncset.done $0x0  }
0xa6: {  	[sflag:s22] =	ssyncadd.s32 s4;
	_ =	sdelay $0x1  }
0xa7: {  	s23 =	simm.s32 $0x1B8B  }
0xa8: {  	_ =	swait.ge [sflag:s23], $0x1  }
0xa9: {  	[sflag:s23] =	ssyncset.done $0x0  }
0xaa: {  	s25 =	simm.s32 $0x1B8E;
	s24 =	sld [smem:$0x3FFE];
	[sflag:s23] =	ssyncadd.s32 $0xFFFFFFFF  }
0xab: {  	s26 =	simm.s32 $execute0_lowered;
	[smem:$0x3FD2] =	sst s25  }
0xac: {  	s5 =	sshll.u32 s26, $0x1;
	_ =	strace $0x80000046;
	[dreg:$0x1] =	wrdreg $0xFFFFFFFF  }
0xad: {  	s28 =	simm.s32 $_size_execute0_lowered;
	s3 =	sadd.s32 s3, s5;
	[dreg:$0x0] =	wrdreg $0x0  }
0xae: {  	s5 =	sshll.u32 s28, $0x1;
	[dreg:$0x2] =	wrdreg s3  }
0xaf: {  	[dreg:$0x3] =	wrdreg s5  }
0xb0: {  	[dreg:$0x4] =	wrdreg $0xC0  }
0xb1: {  	_ =	task [dreg:s7], $0x5FFFF  }
0xb2: {  	[dreg:$0x1] =	wrdreg $0xFFFFFFFF  }
0xb3: {  	[dreg:$0x0] =	wrdreg $0x60  }
0xb4: {  	[dreg:$0x2] =	wrdreg s24  }
0xb5: {  	[dreg:$0x3] =	wrdreg s16  }
0xb6: {  	[dreg:$0x4] =	wrdreg $0x0  }
0xb7: {  	[dreg:$0x5] =	wrdreg $0x9  }
0xb8: {  	_ =	task.clear_ibuf [dreg:s7], $0x6FFFF;
	_ =	strace $0x90000046  }
0xb9: {  	s29 =	simm.s32 $0x9;
	_ =	strace $0x80000048  }
0xba: {  	_ =	swait.ge [sflag:s29], $0x1  }
0xbb: {  	[sflag:s29] =	ssyncadd.s32 $0xFFFFFFFF  }
0xbc: {  	_ =	strace $0x90000048  }
0xbd: {  	_ =	sfence  }
0xbe: {  	s30 =	sld [smem:$0x0];
	_ =	sdelay $0x2  }
0xbf: {  	s31 =	sshll.u32 s1, $0xD;
	s1 =	sshrl.u32 s1, $0x2  }
0xc0: {  	s3 =	sand.u32 $0x4000, s31;
	s1 =	sadd.s32 s1, s30  }
0xc1: {  	s0 =	sor.u32 s3, s0;
	s1 =	sshll.u32 s1, $0x11  }
0xc2: {  	s0 =	sor.u32 s1, s0  }
0xc3: {  	s0 =	sadd.s32 $0x8F2B, s0  }
0xc4: {  	[sflag:s0] =	ssyncadd.remote.s32 $0x1  }
0xc5: {  	_ =	sfence.sel $0xFFFF  }
0xc6: {  	[dreg:$0x0] =	wrdreg $0xFFFFFFFF;
	(pc) =	sbr.abs _section_cstart, $3  }
0xc7: {  	[dreg:$0x1] =	wrdreg $0xFFFFFFFF  }
0xc8: {  	_ =	task.clear_ibuf [dreg:s7], $0x2FFFF;
	_ =	strace $0x9FFFFFFF  }
0xc9: {  	(tm) =	ssettm $0x7FFFFFFF  }
tec
execute0_lowered:
.L_overlay_start_1:
0x0: {  	(tag) =	ssettag $0x1  }
0x1: {  	s0 =	rddreg [dreg:$0x0]  }
0x2: {  	s3 =	rddreg [dreg:$0x2];
	s4 =	simm.s32 $0x0  }
0x3: {  	s11 =	stileid.u32;
	s2 =	srdreg.scid;
	s12 =	simm.s32 $0x16800  }
0x4: {  	s14 =	simm.s32 $0x16850;
	s15 =	simm.s32 $0x50;
	s1 =	smul.u32 $0x4E2, s11  }
0x5: {  	[smem:$0x7FF] =	sst s4;
	s7 =	smul.u32 $0x5A000, s11;
	s5 =	sadd.s32 $0x7D200, s0  }
0x6: {  	s6 =	sadd.s32 $0x51200, s0;
	s2 =	sand.u32 $0x1, s2;
	s8 =	sadd.s32 $0xE0200, s0  }
0x7: {  	s13 =	smul.u32 $0x16800, s11;
	s11 =	simm.s32 $0x2;
	_ =	strace $0x80000047  }
0x8: {  	s9 =	ssub.s32 $0x2, s2;
	[dreg:$0x4] =	wrdreg s8;
	p0 =	sne.s32 s2, $0x0  }
0x9: {  	s1 =	sadd.s32 s1, s0;
	s7 =	sshrl.u32 s7, $0x2;
	s10 =	sshrl.u32 s9, $0x1  }
0xa: {  	s0 =	sadd.s32 $0xB3200, s0;
	s23 =	sadd.s32 $0x13B00, s13;
	s28 =	sadd.s32 $0xB400, s13  }
0xb: {  	s30 =	sadd.s32 $0x8700, s13;
	s31 =	sadd.s32 $0x5A00, s13;
	[dreg:$0x5] =	wrdreg s0  }
0xc: {  	s8 =	sadd.s32 s7, s3;
	[dreg:$0xd] =	wrdreg s23;
	s24 =	sshrl.u32 s23, $0x3  }
0xd: {  	s2 =	sadd.s32 $0x2D00, s13;
	s7 =	sadd.s32 $0x2D00, s8;
	[dreg:$0xf] =	wrdreg s24  }
0xe: {  	s16 =	ssub.s32 s9, s10;
	s17 =	sadd.s32 $0x5A00, s8;
	[dreg:$0x6] =	wrdreg s7  }
0xf: {  	s23 =	sadd.s32 $0xE100, s13;
	s18 =	sadd.s32 $0x8700, s8;
	[dreg:$0x7] =	wrdreg s17  }
0x10: {  	s29 =	sshrl.u32 s28, $0x3;
	s19 =	sadd.s32 $0xB400, s8;
	[dreg:$0x8] =	wrdreg s18  }
0x11: {  	s9 =	sshrl.u32 s13, $0x3;
	s20 =	sadd.s32 $0xE100, s8;
	[dreg:$0x9] =	wrdreg s19  }
0x12: {  	s10 =	simm.s32 $0x168A0;
	s21 =	sadd.s32 $0x10E00, s8;
	[dreg:$0xa] =	wrdreg s20  }
0x13: {  	s22 =	sadd.s32 $0x13B00, s8;
	s0 =	smax.u32 s16, $0x1;
	[dreg:$0xb] =	wrdreg s21  }
.Ltmp0:
0x14: {  	s24 =	sadd.s32 $0xA9200, s1;
	[dreg:$0xc] =	wrdreg s22;
	(pc) =	sbr.rel .LBB2_1-.Ltmp0, $4  }
0x15: {  	s26 =	sshrl.u32 s23, $0x3;
	s16 =	simm.s32 $0x1;
	[dreg:$0xe] =	wrdreg s0  }
0x16: {  	s19 =	sadd.s32 $0x10E00, s13;
	[dreg:$0x11] =	wrdreg s26;
	s0 =	sshrl.u32 s30, $0x3  }
0x17: {  	s7 =	sshrl.u32 s2, $0x3;
	s17 =	simm.s32 $0x0;
	s25 =	sshrl.u32 s19, $0x3  }
0x18: {  	[dreg:$0x10] =	wrdreg s25;
	s25 =	sadd.s32 $0xAE200, s1;
	s1 =	sshrl.u32 s31, $0x3  }
.LBB2_7:
0x19: {  	s18 =	sadd.s32 s20, s25;
	[sflag:s11] =	ssyncadd.s32 $0xFFFFD300  }
0x1a: {  	[tilespmem:s12], [sflag:$0x2] =	stream.linear.gather [hbm4b:s18+s4], $0x50, $0x38;
	[tilespmem:$0x195A0] =	vst v63  }
0x1b: {  	_ =	swait.ge [sflag:s11], $0x50  }
0x1c: {  	[sflag:s11] =	ssyncset.done $0x0  }
0x1d: {  	s26 =	sadd.s32 s20, s24;
	[sflag:s11] =	ssyncadd.s32 $0xFFFFFFB0  }
0x1e: {  	[tilespmem:s14], [sflag:$0x2] =	stream.linear.gather [hbm4b:s26+s4], $0x50, $0x38;
	[tilespmem:$0x195A0] =	vst v63  }
0x1f: {  	_ =	swait.ge [sflag:s11], $0x50  }
0x20: {  	[sflag:s11] =	ssyncset.done $0x0  }
0x21: {  	[sflag:s11] =	ssyncadd.s32 $0xFFFFFFB0  }
0x22: {  	[tilespmem:s10], [sflag:$0x1] =	stream.indirect.gather [hbm4b:s6+s15], $0x90, s12, s15, $0xb8;
	[tilespmem:$0x195A0] =	vst v63  }
0x23: {  	_ =	swait.ge [sflag:s16], $0x2D00  }
0x24: {  	[sflag:s16] =	ssyncset.done $0x0  }
0x25: {  	[sflag:s16] =	ssyncadd.s32 $0xFFFFD300  }
0x26: {  	[spmem:s3] =	stream.indirect.scatter.add.f32 [tilespmem:s10], [sflag:$0x2], $0x90, s14, s15, $0xb8;
	[tilespmem:$0x195A0] =	vst v63  }
0x27: {  	_ =	swait.ge [sflag:s11], $0x2D00  }
0x28: {  	[sflag:s11] =	ssyncset.done $0x0  }
0x29: {  	s20 =	rddreg [dreg:$0x5];
	[sflag:s11] =	ssyncadd.s32 $0xFFFFD300  }
.LBB2_8:
0x2a: {  	s18 =	sadd.s32 s13, s3;
	[bflag:$0x0] =	sbarrier.arrive $0xFFFF  }
0x2b: {  	[tilespmem:s10], [sflag:$0x2] =	stream.linear.gather [spmem:s18], $0x2D00, $0x38;
	[tilespmem:$0x195A0] =	vst v63  }
0x2c: {  	_ =	swait.ge [sflag:s11], $0x2D00  }
0x2d: {  	[sflag:s11] =	ssyncset.done $0x0  }
0x2e: {  	s26 =	sadd.s32 s20, s9;
	[sflag:s11] =	ssyncadd.s32 $0xFFFFD300  }
0x2f: {  	[hbm4b:s26+s4] =	stream.linear.scatter [tilespmem:s10], [sflag:$0x2], $0x2D00, $0x38;
	[tilespmem:$0x195A0] =	vst v63  }
0x30: {  	_ =	swait.ge [sflag:s11], $0x2D00  }
0x31: {  	[sflag:s11] =	ssyncset.done $0x0  }
0x32: {  	s21 =	sadd.s32 s2, s3;
	[sflag:s11] =	ssyncadd.s32 $0xFFFFD300  }
0x33: {  	[tilespmem:s10], [sflag:$0x2] =	stream.linear.gather [spmem:s21], $0x2D00, $0x38;
	[tilespmem:$0x195A0] =	vst v63  }
0x34: {  	_ =	swait.ge [sflag:s11], $0x2D00  }
0x35: {  	[sflag:s11] =	ssyncset.done $0x0  }
0x36: {  	s22 =	sadd.s32 s20, s7;
	[sflag:s11] =	ssyncadd.s32 $0xFFFFD300  }
0x37: {  	[hbm4b:s22+s4] =	stream.linear.scatter [tilespmem:s10], [sflag:$0x2], $0x2D00, $0x38;
	[tilespmem:$0x195A0] =	vst v63  }
0x38: {  	_ =	swait.ge [sflag:s11], $0x2D00  }
0x39: {  	[sflag:s11] =	ssyncset.done $0x0  }
0x3a: {  	s26 =	sadd.s32 s31, s3;
	[sflag:s11] =	ssyncadd.s32 $0xFFFFD300  }
0x3b: {  	[tilespmem:s10], [sflag:$0x2] =	stream.linear.gather [spmem:s26], $0x2D00, $0x38;
	[tilespmem:$0x195A0] =	vst v63  }
0x3c: {  	_ =	swait.ge [sflag:s11], $0x2D00  }
0x3d: {  	[sflag:s11] =	ssyncset.done $0x0  }
0x3e: {  	s21 =	sadd.s32 s20, s1;
	[sflag:s11] =	ssyncadd.s32 $0xFFFFD300  }
0x3f: {  	[hbm4b:s21+s4] =	stream.linear.scatter [tilespmem:s10], [sflag:$0x2], $0x2D00, $0x38;
	[tilespmem:$0x195A0] =	vst v63  }
0x40: {  	_ =	swait.ge [sflag:s11], $0x2D00  }
0x41: {  	[sflag:s11] =	ssyncset.done $0x0  }
0x42: {  	s22 =	sadd.s32 s30, s3;
	[sflag:s11] =	ssyncadd.s32 $0xFFFFD300  }
0x43: {  	[tilespmem:s10], [sflag:$0x2] =	stream.linear.gather [spmem:s22], $0x2D00, $0x38;
	[tilespmem:$0x195A0] =	vst v63  }
0x44: {  	_ =	swait.ge [sflag:s11], $0x2D00  }
0x45: {  	[sflag:s11] =	ssyncset.done $0x0  }
0x46: {  	s26 =	sadd.s32 s20, s0;
	[sflag:s11] =	ssyncadd.s32 $0xFFFFD300  }
0x47: {  	[hbm4b:s26+s4] =	stream.linear.scatter [tilespmem:s10], [sflag:$0x2], $0x2D00, $0x38;
	[tilespmem:$0x195A0] =	vst v63  }
0x48: {  	_ =	swait.ge [sflag:s11], $0x2D00  }
0x49: {  	[sflag:s11] =	ssyncset.done $0x0  }
0x4a: {  	s21 =	sadd.s32 s28, s3;
	[sflag:s11] =	ssyncadd.s32 $0xFFFFD300  }
0x4b: {  	[tilespmem:s10], [sflag:$0x2] =	stream.linear.gather [spmem:s21], $0x2D00, $0x38;
	[tilespmem:$0x195A0] =	vst v63  }
0x4c: {  	_ =	swait.ge [sflag:s11], $0x2D00  }
0x4d: {  	[sflag:s11] =	ssyncset.done $0x0  }
0x4e: {  	s22 =	sadd.s32 s20, s29;
	[sflag:s11] =	ssyncadd.s32 $0xFFFFD300  }
0x4f: {  	[hbm4b:s22+s4] =	stream.linear.scatter [tilespmem:s10], [sflag:$0x2], $0x2D00, $0x38;
	[tilespmem:$0x195A0] =	vst v63  }
0x50: {  	_ =	swait.ge [sflag:s11], $0x2D00  }
0x51: {  	[sflag:s11] =	ssyncset.done $0x0  }
0x52: {  	s26 =	sadd.s32 s23, s3;
	[sflag:s11] =	ssyncadd.s32 $0xFFFFD300  }
0x53: {  	[tilespmem:s10], [sflag:$0x2] =	stream.linear.gather [spmem:s26], $0x2D00, $0x38;
	[tilespmem:$0x195A0] =	vst v63  }
0x54: {  	_ =	swait.ge [sflag:s11], $0x2D00  }
0x55: {  	[sflag:s11] =	ssyncset.done $0x0;
	s21 =	rddreg [dreg:$0x11]  }
0x56: {  	s18 =	sadd.s32 s20, s21;
	[sflag:s11] =	ssyncadd.s32 $0xFFFFD300  }
0x57: {  	[hbm4b:s18+s4] =	stream.linear.scatter [tilespmem:s10], [sflag:$0x2], $0x2D00, $0x38;
	[tilespmem:$0x195A0] =	vst v63  }
0x58: {  	_ =	swait.ge [sflag:s11], $0x2D00  }
0x59: {  	[sflag:s11] =	ssyncset.done $0x0  }
0x5a: {  	s22 =	sadd.s32 s19, s3;
	[sflag:s11] =	ssyncadd.s32 $0xFFFFD300  }
0x5b: {  	[tilespmem:s10], [sflag:$0x2] =	stream.linear.gather [spmem:s22], $0x2D00, $0x38;
	[tilespmem:$0x195A0] =	vst v63  }
0x5c: {  	_ =	swait.ge [sflag:s11], $0x2D00  }
0x5d: {  	[sflag:s11] =	ssyncset.done $0x0;
	s26 =	rddreg [dreg:$0x10]  }
0x5e: {  	s18 =	sadd.s32 s20, s26;
	[sflag:s11] =	ssyncadd.s32 $0xFFFFD300  }
0x5f: {  	[hbm4b:s18+s4] =	stream.linear.scatter [tilespmem:s10], [sflag:$0x2], $0x2D00, $0x38;
	[tilespmem:$0x195A0] =	vst v63  }
0x60: {  	_ =	swait.ge [sflag:s11], $0x2D00  }
0x61: {  	[sflag:s11] =	ssyncset.done $0x0;
	s21 =	rddreg [dreg:$0xd]  }
0x62: {  	s18 =	sadd.s32 s21, s3;
	[sflag:s11] =	ssyncadd.s32 $0xFFFFD300  }
0x63: {  	[tilespmem:s10], [sflag:$0x2] =	stream.linear.gather [spmem:s18], $0x2D00, $0x38;
	[tilespmem:$0x195A0] =	vst v63  }
0x64: {  	_ =	swait.ge [sflag:s11], $0x2D00  }
0x65: {  	[sflag:s11] =	ssyncset.done $0x0;
	s22 =	rddreg [dreg:$0xf]  }
0x66: {  	s18 =	sadd.s32 s20, s22;
	[sflag:s11] =	ssyncadd.s32 $0xFFFFD300  }
0x67: {  	[hbm4b:s18+s4] =	stream.linear.scatter [tilespmem:s10], [sflag:$0x2], $0x2D00, $0x38;
	[tilespmem:$0x195A0] =	vst v63  }
0x68: {  	_ =	swait.ge [sflag:s11], $0x2D00  }
0x69: {  	s17 =	sadd.s32 $0x1, s17;
	s26 =	rddreg [dreg:$0xe]  }
0x6a: {  	p1 =	sne.s32 s17, s26  }
.Ltmp1:
0x6b: {  	_ = 	snop;
	(pc) =	sbr.rel @!p1 .LBB2_9-.Ltmp1, $3  }
0x6c: {  	_ =	sdelay $0x1  }
0x6d: {  	[sflag:s11] =	ssyncset.done $0x0  }
0x6e: {  	[sflag:s11] =	ssyncadd.s32 $0xFFFFD300  }
.LBB2_1:
0x6f: {  	s18 =	rddreg [dreg:$0x1]  }
0x70: {  	[tilespmem:s10], [sflag:$0x2] =	stream.linear.gather [hbm4b:s18+s4], $0x2D00, $0x38;
	[tilespmem:$0x195A0] =	vst v63  }
0x71: {  	_ =	swait.ge [sflag:s11], $0x2D00  }
0x72: {  	[sflag:s11] =	ssyncset.done $0x0  }
0x73: {  	[sflag:s11] =	ssyncadd.s32 $0xFFFFD300  }
0x74: {  	[spmem:s8] =	stream.linear.scatter [tilespmem:s10], [sflag:$0x2], $0x2D00, $0x38;
	[tilespmem:$0x195A0] =	vst v63  }
0x75: {  	_ =	swait.ge [sflag:s11], $0x2D00  }
0x76: {  	[sflag:s11] =	ssyncset.done $0x0  }
0x77: {  	s21 =	rddreg [dreg:$0x6];
	[sflag:s11] =	ssyncadd.s32 $0xFFFFD300  }
0x78: {  	[spmem:s21] =	stream.linear.scatter [tilespmem:s10], [sflag:$0x2], $0x2D00, $0x38;
	[tilespmem:$0x195A0] =	vst v63  }
0x79: {  	_ =	swait.ge [sflag:s11], $0x2D00  }
0x7a: {  	[sflag:s11] =	ssyncset.done $0x0  }
0x7b: {  	s22 =	rddreg [dreg:$0x7];
	[sflag:s11] =	ssyncadd.s32 $0xFFFFD300  }
0x7c: {  	[spmem:s22] =	stream.linear.scatter [tilespmem:s10], [sflag:$0x2], $0x2D00, $0x38;
	[tilespmem:$0x195A0] =	vst v63  }
0x7d: {  	_ =	swait.ge [sflag:s11], $0x2D00  }
0x7e: {  	[sflag:s11] =	ssyncset.done $0x0  }
0x7f: {  	s26 =	rddreg [dreg:$0x8];
	[sflag:s11] =	ssyncadd.s32 $0xFFFFD300  }
0x80: {  	[spmem:s26] =	stream.linear.scatter [tilespmem:s10], [sflag:$0x2], $0x2D00, $0x38;
	[tilespmem:$0x195A0] =	vst v63  }
0x81: {  	_ =	swait.ge [sflag:s11], $0x2D00  }
0x82: {  	[sflag:s11] =	ssyncset.done $0x0  }
0x83: {  	s20 =	rddreg [dreg:$0x9];
	[sflag:s11] =	ssyncadd.s32 $0xFFFFD300  }
0x84: {  	[spmem:s20] =	stream.linear.scatter [tilespmem:s10], [sflag:$0x2], $0x2D00, $0x38;
	[tilespmem:$0x195A0] =	vst v63  }
0x85: {  	_ =	swait.ge [sflag:s11], $0x2D00  }
0x86: {  	[sflag:s11] =	ssyncset.done $0x0  }
0x87: {  	s21 =	rddreg [dreg:$0xa];
	[sflag:s11] =	ssyncadd.s32 $0xFFFFD300  }
0x88: {  	[spmem:s21] =	stream.linear.scatter [tilespmem:s10], [sflag:$0x2], $0x2D00, $0x38;
	[tilespmem:$0x195A0] =	vst v63  }
0x89: {  	_ =	swait.ge [sflag:s11], $0x2D00  }
0x8a: {  	[sflag:s11] =	ssyncset.done $0x0  }
0x8b: {  	s22 =	rddreg [dreg:$0xb];
	[sflag:s11] =	ssyncadd.s32 $0xFFFFD300  }
0x8c: {  	[spmem:s22] =	stream.linear.scatter [tilespmem:s10], [sflag:$0x2], $0x2D00, $0x38;
	[tilespmem:$0x195A0] =	vst v63  }
0x8d: {  	_ =	swait.ge [sflag:s11], $0x2D00  }
0x8e: {  	[sflag:s11] =	ssyncset.done $0x0  }
0x8f: {  	s26 =	rddreg [dreg:$0xc];
	[sflag:s11] =	ssyncadd.s32 $0xFFFFD300  }
0x90: {  	[spmem:s26] =	stream.linear.scatter [tilespmem:s10], [sflag:$0x2], $0x2D00, $0x38;
	[tilespmem:$0x195A0] =	vst v63  }
.Ltmp2:
0x91: {  	_ =	swait.ge [sflag:s11], $0x2D00;
	(pc) =	sbr.rel @p0 .LBB2_5-.Ltmp2, $3  }
0x92: {  	[sflag:s11] =	ssyncset.done $0x0  }
0x93: {  	[sflag:s11] =	ssyncadd.s32 $0xFFFFD300  }
0x94: {  	[bflag:$0x0] =	sbarrier.arrive $0xFFFF;
	_ =	sdelay $0x1  }
0x95: {  	s20 =	sadd.s32 $0x0, s25  }
0x96: {  	[tilespmem:s12], [sflag:$0x2] =	stream.linear.gather [hbm4b:s20+s4], $0x50, $0x38;
	[tilespmem:$0x195A0] =	vst v63  }
0x97: {  	_ =	swait.ge [sflag:s11], $0x50  }
0x98: {  	[sflag:s11] =	ssyncset.done $0x0  }
0x99: {  	s26 =	sadd.s32 $0x0, s24;
	[sflag:s11] =	ssyncadd.s32 $0xFFFFFFB0  }
0x9a: {  	[tilespmem:s14], [sflag:$0x2] =	stream.linear.gather [hbm4b:s26+s4], $0x50, $0x38;
	[tilespmem:$0x195A0] =	vst v63  }
0x9b: {  	_ =	swait.ge [sflag:s11], $0x50  }
0x9c: {  	[sflag:s11] =	ssyncset.done $0x0  }
0x9d: {  	[sflag:s11] =	ssyncadd.s32 $0xFFFFFFB0  }
0x9e: {  	[tilespmem:s10], [sflag:$0x1] =	stream.indirect.gather [hbm4b:s5+s15], $0x90, s12, s15, $0xb8;
	[tilespmem:$0x195A0] =	vst v63  }
0x9f: {  	_ =	swait.ge [sflag:s16], $0x2D00  }
0xa0: {  	[sflag:s16] =	ssyncset.done $0x0  }
0xa1: {  	[sflag:s16] =	ssyncadd.s32 $0xFFFFD300  }
0xa2: {  	[spmem:s3] =	stream.indirect.scatter.add.f32 [tilespmem:s10], [sflag:$0x2], $0x90, s14, s15, $0xb8;
	[tilespmem:$0x195A0] =	vst v63  }
0xa3: {  	_ =	swait.ge [sflag:s11], $0x2D00  }
0xa4: {  	s21 =	simm.s32 $0x14;
	s20 =	simm.s32 $0xA;
	[sflag:s11] =	ssyncset.done $0x0  }
.LBB2_3:
0xa5: {  	s22 =	sadd.s32 s20, s25  }
0xa6: {  	[sflag:s11] =	ssyncadd.s32 $0xFFFFD300;
	s26 =	smov.u32 s21;
	s18 =	sadd.s32 $0xA, s21  }
0xa7: {  	[tilespmem:s12], [sflag:$0x2] =	stream.linear.gather [hbm4b:s22+s4], $0x50, $0x38;
	[tilespmem:$0x195A0] =	vst v63  }
0xa8: {  	p1 =	seq.s32 s21, $0x4D8;
	_ =	swait.ge [sflag:s11], $0x50  }
0xa9: {  	[sflag:s11] =	ssyncset.done $0x0  }
0xaa: {  	s21 =	sadd.s32 s20, s24;
	s20 =	smov.u32 s26;
	[sflag:s11] =	ssyncadd.s32 $0xFFFFFFB0  }
0xab: {  	[tilespmem:s14], [sflag:$0x2] =	stream.linear.gather [hbm4b:s21+s4], $0x50, $0x38;
	[tilespmem:$0x195A0] =	vst v63  }
0xac: {  	_ =	swait.ge [sflag:s11], $0x50  }
0xad: {  	[sflag:s11] =	ssyncset.done $0x0  }
0xae: {  	[sflag:s11] =	ssyncadd.s32 $0xFFFFFFB0  }
0xaf: {  	[tilespmem:s10], [sflag:$0x1] =	stream.indirect.gather [hbm4b:s5+s15], $0x90, s12, s15, $0xb8;
	[tilespmem:$0x195A0] =	vst v63  }
0xb0: {  	_ =	swait.ge [sflag:s16], $0x2D00  }
.Ltmp3:
0xb1: {  	[sflag:s16] =	ssyncset.done $0x0;
	(pc) =	sbr.rel @!p1 .LBB2_3-.Ltmp3, $4  }
0xb2: {  	[sflag:s16] =	ssyncadd.s32 $0xFFFFD300  }
0xb3: {  	[spmem:s3] =	stream.indirect.scatter.add.f32 [tilespmem:s10], [sflag:$0x2], $0x90, s14, s15, $0xb8;
	[tilespmem:$0x195A0] =	vst v63  }
0xb4: {  	_ =	swait.ge [sflag:s11], $0x2D00  }
0xb5: {  	s21 =	smov.u32 s18;
	[sflag:s11] =	ssyncset.done $0x0  }
0xb6: {  	s18 =	sadd.s32 s20, s25;
	[sflag:s11] =	ssyncadd.s32 $0xFFFFD300  }
0xb7: {  	[tilespmem:s12], [sflag:$0x2] =	stream.linear.gather [hbm4b:s18+s4], $0x50, $0x38;
	[tilespmem:$0x195A0] =	vst v63  }
0xb8: {  	_ =	swait.ge [sflag:s11], $0x50  }
0xb9: {  	[sflag:s11] =	ssyncset.done $0x0  }
0xba: {  	s26 =	sadd.s32 s20, s24;
	[sflag:s11] =	ssyncadd.s32 $0xFFFFFFB0  }
0xbb: {  	[tilespmem:s14], [sflag:$0x2] =	stream.linear.gather [hbm4b:s26+s4], $0x50, $0x38;
	[tilespmem:$0x195A0] =	vst v63  }
0xbc: {  	_ =	swait.ge [sflag:s11], $0x50  }
0xbd: {  	[sflag:s11] =	ssyncset.done $0x0  }
0xbe: {  	[sflag:s11] =	ssyncadd.s32 $0xFFFFFFB0  }
0xbf: {  	[tilespmem:s10], [sflag:$0x1] =	stream.indirect.gather [hbm4b:s5+s15], $0x90, s12, s15, $0xb8;
	[tilespmem:$0x195A0] =	vst v63  }
0xc0: {  	_ =	swait.ge [sflag:s16], $0x2D00  }
0xc1: {  	[sflag:s16] =	ssyncset.done $0x0  }
.Ltmp4:
0xc2: {  	[sflag:s16] =	ssyncadd.s32 $0xFFFFD300;
	(pc) =	sbr.rel .LBB2_8-.Ltmp4, $4  }
0xc3: {  	[spmem:s3] =	stream.indirect.scatter.add.f32 [tilespmem:s10], [sflag:$0x2], $0x90, s14, s15, $0xb8;
	[tilespmem:$0x195A0] =	vst v63  }
0xc4: {  	_ =	swait.ge [sflag:s11], $0x2D00  }
0xc5: {  	[sflag:s11] =	ssyncset.done $0x0  }
0xc6: {  	s20 =	rddreg [dreg:$0x4];
	[sflag:s11] =	ssyncadd.s32 $0xFFFFD300  }
.LBB2_5:
0xc7: {  	s18 =	sadd.s32 $0x0, s25  }
0xc8: {  	[tilespmem:s12], [sflag:$0x2] =	stream.linear.gather [hbm4b:s18+s4], $0x50, $0x38;
	[tilespmem:$0x195A0] =	vst v63  }
0xc9: {  	_ =	swait.ge [sflag:s11], $0x50  }
0xca: {  	[sflag:s11] =	ssyncset.done $0x0  }
0xcb: {  	s26 =	sadd.s32 $0x0, s24;
	[sflag:s11] =	ssyncadd.s32 $0xFFFFFFB0  }
0xcc: {  	[tilespmem:s14], [sflag:$0x2] =	stream.linear.gather [hbm4b:s26+s4], $0x50, $0x38;
	[tilespmem:$0x195A0] =	vst v63  }
0xcd: {  	_ =	swait.ge [sflag:s11], $0x50  }
0xce: {  	[sflag:s11] =	ssyncset.done $0x0  }
0xcf: {  	[sflag:s11] =	ssyncadd.s32 $0xFFFFFFB0  }
0xd0: {  	[tilespmem:s10], [sflag:$0x1] =	stream.indirect.gather [hbm4b:s6+s15], $0x90, s12, s15, $0xb8;
	[tilespmem:$0x195A0] =	vst v63  }
0xd1: {  	_ =	swait.ge [sflag:s16], $0x2D00  }
0xd2: {  	[sflag:s16] =	ssyncset.done $0x0  }
0xd3: {  	[sflag:s16] =	ssyncadd.s32 $0xFFFFD300  }
0xd4: {  	[spmem:s3] =	stream.indirect.scatter.add.f32 [tilespmem:s10], [sflag:$0x2], $0x90, s14, s15, $0xb8;
	[tilespmem:$0x195A0] =	vst v63  }
0xd5: {  	_ =	swait.ge [sflag:s11], $0x2D00  }
0xd6: {  	s20 =	simm.s32 $0xA;
	s21 =	simm.s32 $0x14;
	[sflag:s11] =	ssyncset.done $0x0  }
.LBB2_6:
0xd7: {  	s18 =	sadd.s32 s20, s25  }
0xd8: {  	[sflag:s11] =	ssyncadd.s32 $0xFFFFD300;
	s22 =	smov.u32 s21;
	s26 =	sadd.s32 $0xA, s21  }
0xd9: {  	[tilespmem:s12], [sflag:$0x2] =	stream.linear.gather [hbm4b:s18+s4], $0x50, $0x38;
	[tilespmem:$0x195A0] =	vst v63  }
0xda: {  	p1 =	sne.s32 s21, $0x4D8;
	_ =	swait.ge [sflag:s11], $0x50  }
0xdb: {  	[sflag:s11] =	ssyncset.done $0x0  }
0xdc: {  	s18 =	sadd.s32 s20, s24;
	s20 =	smov.u32 s22;
	[sflag:s11] =	ssyncadd.s32 $0xFFFFFFB0  }
0xdd: {  	[tilespmem:s14], [sflag:$0x2] =	stream.linear.gather [hbm4b:s18+s4], $0x50, $0x38;
	[tilespmem:$0x195A0] =	vst v63  }
0xde: {  	_ =	swait.ge [sflag:s11], $0x50  }
0xdf: {  	[sflag:s11] =	ssyncset.done $0x0  }
0xe0: {  	[sflag:s11] =	ssyncadd.s32 $0xFFFFFFB0  }
0xe1: {  	[tilespmem:s10], [sflag:$0x1] =	stream.indirect.gather [hbm4b:s6+s15], $0x90, s12, s15, $0xb8;
	[tilespmem:$0x195A0] =	vst v63  }
0xe2: {  	_ =	swait.ge [sflag:s16], $0x2D00  }
.Ltmp5:
0xe3: {  	[sflag:s16] =	ssyncset.done $0x0;
	(pc) =	sbr.rel @p1 .LBB2_6-.Ltmp5, $4  }
0xe4: {  	[sflag:s16] =	ssyncadd.s32 $0xFFFFD300  }
0xe5: {  	[spmem:s3] =	stream.indirect.scatter.add.f32 [tilespmem:s10], [sflag:$0x2], $0x90, s14, s15, $0xb8;
	[tilespmem:$0x195A0] =	vst v63  }
0xe6: {  	_ =	swait.ge [sflag:s11], $0x2D00  }
0xe7: {  	s21 =	smov.u32 s26;
	[sflag:s11] =	ssyncset.done $0x0  }
.Ltmp6:
0xe8: {  	_ = 	snop;
	(pc) =	sbr.rel .LBB2_7-.Ltmp6, $1  }
0xe9: {  	_ =	sdelay $0x3  }
.LBB2_9:
0xea: {  	_ =	sfence.sel $0x180000  }
0xeb: {  	[bflag:$0x0] =	sbarrier.arrive $0xFFFF  }
0xec: {  	_ =	strace $0x90000047  }
0xed: {  	s0 =	stileid.u32;
	[bflag:$0x2] =	sbarrier.arrive $0xFFFF  }
0xee: {  	p0 =	sne.s32 s0, $0x0;
	s0 =	rddreg [dreg:$0x3]  }
0xef: {  	s0 =	sadd.s32 @!p0 $0x100000, s0  }
0xf0: {  	[sflag:s0] =	ssyncadd.tile.s32 @!p0 $0x1;
	_ =	shalt  }
.Lfunc_end2:
_tile_overlayer_lowered:
.L_overlay_start_2:
0xf1: {  	(tag) =	ssettag $0x2  }
0xf2: {  	s0 =	rddreg [dreg:$0x0];
	s2 =	stileid.u32  }
0xf3: {  	s1 =	rddreg [dreg:$0x1];
	p0 =	sne.s32 s2, $0x0  }
0xf4: {  	s3 =	rddreg [dreg:$0x2];
	[bflag:$0x3] =	sbarrier.arrive $0xFFFF;
	s2 =	simm.s32 @!p0 $0x1C02  }
0xf5: {  	[timem:s3], [sflag:s2] =	dma.local @!p0 [hbm:s0], s1  }
0xf6: {  	s0 =	simm.s32 @!p0 $0x2  }
0xf7: {  	_ =	swait.ge @!p0 [sflag:s0], s1  }
0xf8: {  	s1 =	ssub.s32 @!p0 $0x0, s1;
	[sflag:s0] =	ssyncset.done @!p0 $0x0  }
0xf9: {  	[sflag:s0] =	ssyncadd.s32 @!p0 s1  }
0xfa: {  	[bflag:$0x3] =	sbarrier.arrive $0xFFFF  }
0xfb: {  	_ =	shalt  }

</sc_bundles>
